<compile_context>
chip_gen: v7x
topology: tpu7x:2x2x1
jax: 0.10.2.dev20260603
libtpu: 0.0.44.dev20260713+nightly
codegen_flags: <defaults>
</compile_context>

<pallas_src>
import functools

import jax
import jax.numpy as jnp
from jax import lax
from jax.experimental import pallas as pl
from jax.experimental.pallas import tpu as pltpu
from jax.experimental.pallas import tpu_sc as plsc

N = 10000
E = 320000
D = 128
R = 200

NC = 2
NS = 16
NW = NC * NS
EPW = E // NW
C = 80
CHUNKS = EPW // C
NPAD = 10240
ROWS_PER_TILE = NPAD // NS



def _precompute_body(h_ref, pos_ref, w1_ref, w2_ref, b_ref, wn_ref, rel_ref,
                     t_ref, rel2_ref):
    hp = jnp.dot(h_ref[...], w1_ref[...], preferred_element_type=jnp.float32)
    hp = hp + jnp.dot(pos_ref[...], w2_ref[...],
                      preferred_element_type=jnp.float32)
    hp = hp + b_ref[...]
    t_ref[...] = jnp.dot(hp, wn_ref[...], preferred_element_type=jnp.float32)
    rel2_ref[...] = jnp.dot(rel_ref[...], wn_ref[...],
                            preferred_element_type=jnp.float32)


def _precompute(h, pos_pad, w1, w2_pad, b, wn, emb_rel):
    return pl.pallas_call(
        _precompute_body,
        out_shape=(
            jax.ShapeDtypeStruct((N, D), jnp.float32),
            jax.ShapeDtypeStruct((R, D), jnp.float32),
        ),
    )(h, pos_pad, w1, w2_pad, b, wn, emb_rel)



def _edge_body(t_hbm, rel2_hbm, src_hbm, dst_hbm, et_hbm, zeros_hbm, out_hbm,
               src_c, dst_c, et_c, trow_v, rrow_v, acc,
               isem, gsem, ssem):
    cid = lax.axis_index("c")
    sid = lax.axis_index("s")
    wid = sid * NC + cid

    row0 = sid * ROWS_PER_TILE
    pltpu.sync_copy(zeros_hbm.at[pl.ds(row0, ROWS_PER_TILE)],
                    acc.at[pl.ds(row0, ROWS_PER_TILE)])
    plsc.subcore_barrier()

    def stage_a(j, b):
        e0 = wid * EPW + j * C
        pltpu.async_copy(src_hbm.at[pl.ds(e0, C)], src_c[b], isem[b])
        pltpu.async_copy(dst_hbm.at[pl.ds(e0, C)], dst_c[b], isem[b])
        pltpu.async_copy(et_hbm.at[pl.ds(e0, C)], et_c[b], isem[b])

    def stage_b(j, b):
        e0 = wid * EPW + j * C
        pltpu.make_async_copy(src_hbm.at[pl.ds(e0, C)], src_c[b], isem[b]).wait()
        pltpu.make_async_copy(dst_hbm.at[pl.ds(e0, C)], dst_c[b], isem[b]).wait()
        pltpu.make_async_copy(et_hbm.at[pl.ds(e0, C)], et_c[b], isem[b]).wait()
        pltpu.async_copy(t_hbm.at[src_c[b]], trow_v[b], gsem[b])
        pltpu.async_copy(rel2_hbm.at[et_c[b]], rrow_v[b], gsem[b])

    def wait_b(b):
        pltpu.make_async_copy(t_hbm.at[src_c[b]], trow_v[b], gsem[b]).wait()
        pltpu.make_async_copy(rel2_hbm.at[et_c[b]], rrow_v[b], gsem[b]).wait()

    def stage_c(b):
        wait_b(b)
        pltpu.async_copy(trow_v[b], acc.at[dst_c[b]], ssem[b], add=True)
        pltpu.async_copy(rrow_v[b], acc.at[dst_c[b]], ssem[b], add=True)

    def wait_c(b):
        pltpu.make_async_copy(trow_v[b], acc.at[dst_c[b]], ssem[b]).wait()
        pltpu.make_async_copy(rrow_v[b], acc.at[dst_c[b]], ssem[b]).wait()

    stage_a(0, 0)
    stage_a(1, 1)
    stage_b(0, 0)
    stage_b(1, 1)

    def steady(g, carry):
        for b in range(2):
            j = 2 * g + b
            stage_c(b)
            wait_c(b)
            stage_a(j, b)
            stage_b(j, b)
        return carry

    lax.fori_loop(1, (CHUNKS - 1) // 2, steady, 0)
    stage_c(0)
    wait_c(0)
    stage_a(CHUNKS - 1, 0)
    stage_b(CHUNKS - 1, 0)
    stage_c(1)
    wait_c(1)
    stage_c(0)
    wait_c(0)

    plsc.subcore_barrier()
    pltpu.sync_copy(acc.at[pl.ds(row0, ROWS_PER_TILE)],
                    out_hbm.at[cid, pl.ds(row0, ROWS_PER_TILE)])


_edge_kernel = functools.partial(
    pl.kernel,
    out_type=jax.ShapeDtypeStruct((NC, NPAD, D), jnp.float32),
    mesh=plsc.VectorSubcoreMesh(core_axis_name="c", subcore_axis_name="s",
                                num_cores=NC, num_subcores=NS),
    scratch_types=[
        [pltpu.VMEM((C,), jnp.int32)] * 2,
        [pltpu.VMEM((C,), jnp.int32)] * 2,
        [pltpu.VMEM((C,), jnp.int32)] * 2,
        [pltpu.VMEM((C, D), jnp.float32)] * 2,
        [pltpu.VMEM((C, D), jnp.float32)] * 2,
        pltpu.VMEM_SHARED((NPAD, D), jnp.float32),
        [pltpu.SemaphoreType.DMA] * 2,
        [pltpu.SemaphoreType.DMA] * 2,
        [pltpu.SemaphoreType.DMA] * 2,
    ],
)(_edge_body)



def _combine_body(p_ref, norm_ref, o_ref):
    o_ref[...] = (p_ref[0, :N] + p_ref[1, :N]) * norm_ref[...]


def _combine(partials, norm):
    return pl.pallas_call(
        _combine_body,
        out_shape=jax.ShapeDtypeStruct((N, D), jnp.float32),
    )(partials, norm)



def kernel(h, pos_enc, norm, prev_h, emb_rel, W_hp, b_hp, W_neighbor,
           edge_index, edge_type):
    w1 = W_hp[:D]
    w2_pad = jnp.zeros((8, D), jnp.float32).at[:3].set(W_hp[D:])
    pos_pad = jnp.zeros((N, 8), jnp.float32).at[:, :3].set(pos_enc)
    b = jnp.broadcast_to(b_hp[None, :], (1, D))

    t, rel2 = _precompute(h, pos_pad, w1, w2_pad, b, W_neighbor, emb_rel)

    src = edge_index[0]
    dst = edge_index[1]
    et = edge_type
    zeros = jnp.zeros((NPAD, D), jnp.float32)

    partials = _edge_kernel(t, rel2, src, dst, et, zeros)
    node_repr = _combine(partials, norm)
    return node_repr, pos_enc

# --- scband reference (transcript-rebuilt; emitter-appended) ---
"""Pipeline reference for scband-union-rgcnlayer-23759759082191 (READ-ONLY COPY).

The authoritative reference and input builder live on the scoring server;
editing this copy changes nothing except your own understanding.
"""

import jax, jax.numpy as jnp
import numpy as np

N = 10000
E = 320000
D = 128
P = 3
R = 200

def setup_inputs(seed: int = 0) -> dict:
    key = jax.random.key(seed)
    ks = jax.random.split(key, 8)
    h = jax.random.normal(ks[0], (N, D), dtype=jnp.float32)
    pos_enc = jax.random.normal(ks[1], (N, P), dtype=jnp.float32)
    norm = jax.random.uniform(ks[2], (N, 1), dtype=jnp.float32)
    prev_h = jnp.zeros((0, D), dtype=jnp.float32)
    emb_rel = jax.random.normal(ks[3], (R, D), dtype=jnp.float32)
    edge_index = jax.random.randint(ks[4], (2, E), 0, N, dtype=jnp.int32)
    edge_type = jax.random.randint(ks[5], (E,), 0, R, dtype=jnp.int32)
    # learned params: embedding_hp (Linear in_feat+pos_dim -> out_feat), weight_neighbor
    W_hp = jax.random.normal(ks[6], (D + P, D), dtype=jnp.float32) * (1.0 / np.sqrt(D + P))
    b_hp = jnp.zeros((D,), dtype=jnp.float32)
    W_neighbor = jax.random.normal(ks[7], (D, D), dtype=jnp.float32) * (1.0 / np.sqrt(D))
    return {"h": h, "pos_enc": pos_enc, "norm": norm, "prev_h": prev_h, "emb_rel": emb_rel,
            "W_hp": W_hp, "b_hp": b_hp, "W_neighbor": W_neighbor,
            "edge_index": edge_index, "edge_type": edge_type}

def reference(h, pos_enc, norm, prev_h, emb_rel, W_hp, b_hp, W_neighbor, edge_index, edge_type):
    # UnionRGCNLayer.forward with self_loop=False, skip_connect=False, activation=None, dropout=0
    # propagate(g): msg_func per edge, fn.sum over dst, apply_func (multiply by norm)
    src = edge_index[0]
    dst = edge_index[1]
    h_src = jnp.take(h, src, axis=0)            # [E, D] gather
    p_src = jnp.take(pos_enc, src, axis=0)      # [E, P] gather
    # edges.src['h'] = embedding_hp(cat(h_src, pos_src))
    hp = jnp.concatenate([h_src, p_src], axis=1) @ W_hp + b_hp   # [E, D]
    rel = jnp.take(emb_rel, edge_type, axis=0)  # [E, D] gather by relation type
    msg = (hp + rel) @ W_neighbor               # [E, D]
    agg = jax.ops.segment_sum(msg, dst, num_segments=h.shape[0])  # scatter-add to dst
    node_repr = agg * norm                       # apply_func: h * norm
    # propagate_p is never called in forward; pos_enc passes through unchanged
    pos_enc_out = pos_enc
    return node_repr, pos_enc_out

if __name__ == "__main__":
    import jax
    _d = setup_inputs()
    print(jax.jit(kernel)(*tuple(_d.values())))

</pallas_src>

<mosaic_0001>
#map = affine_map<(d0, d1) -> (0, 0)>
#map1 = affine_map<(d0, d1) -> (0)>
#map2 = affine_map<(d0, d1) -> (0, 0, 0)>
module attributes {stable_mosaic.version = 14 : i64} {
  func.func @_edge_body(%arg0: i32, %arg1: i32, %arg2: memref<10000x128xf32, #tpu.memory_space<hbm>>, %arg3: memref<200x128xf32, #tpu.memory_space<hbm>>, %arg4: memref<320000xi32, #tpu.memory_space<hbm>>, %arg5: memref<320000xi32, #tpu.memory_space<hbm>>, %arg6: memref<320000xi32, #tpu.memory_space<hbm>>, %arg7: memref<10240x128xf32, #tpu.memory_space<hbm>>, %arg8: memref<2x10240x128xf32, #tpu.memory_space<hbm>>, %arg9: memref<80xi32, #tpu.memory_space<vmem>>, %arg10: memref<80xi32, #tpu.memory_space<vmem>>, %arg11: memref<80xi32, #tpu.memory_space<vmem>>, %arg12: memref<80xi32, #tpu.memory_space<vmem>>, %arg13: memref<80xi32, #tpu.memory_space<vmem>>, %arg14: memref<80xi32, #tpu.memory_space<vmem>>, %arg15: memref<80x128xf32, #tpu.memory_space<vmem>>, %arg16: memref<80x128xf32, #tpu.memory_space<vmem>>, %arg17: memref<80x128xf32, #tpu.memory_space<vmem>>, %arg18: memref<80x128xf32, #tpu.memory_space<vmem>>, %arg19: memref<10240x128xf32, #tpu.memory_space<vmem_shared>>, %arg20: memref<!tpu.dma_semaphore, #tpu.memory_space<semaphore_mem>>, %arg21: memref<!tpu.dma_semaphore, #tpu.memory_space<semaphore_mem>>, %arg22: memref<!tpu.dma_semaphore, #tpu.memory_space<semaphore_mem>>, %arg23: memref<!tpu.dma_semaphore, #tpu.memory_space<semaphore_mem>>, %arg24: memref<!tpu.dma_semaphore, #tpu.memory_space<semaphore_mem>>, %arg25: memref<!tpu.dma_semaphore, #tpu.memory_space<semaphore_mem>>) attributes {dimension_semantics = [#tpu.dimension_semantics<core_parallel>, #tpu.dimension_semantics<subcore_parallel>], iteration_bounds = array<i64: 2, 16>, scalar_prefetch = 0 : i64, scratch_operands = 17 : i64, tpu.core_type = #tpu.core_type<sc_vector_subcore>, window_params = [{transform_indices = #map}, {transform_indices = #map}, {transform_indices = #map1}, {transform_indices = #map1}, {transform_indices = #map1}, {transform_indices = #map}, {transform_indices = #map2}]} {
    %mul3A = arith.constant 2 : i32
    %mul3A_0 = arith.muli %arg1, %mul3A : i32
    %add3A = arith.addi %mul3A_0, %arg0 : i32
    %mul3A_1 = arith.constant 640 : i32
    %mul3A_2 = arith.muli %arg1, %mul3A_1 : i32
    "tpu.region"() ({
      %run_scoped3A = tpu.sem_alloc : memref<!tpu.dma_semaphore, #tpu.memory_space<semaphore_mem>>
      %dma_start3A_139 = arith.constant 0 : i32
      %dma_start3A_140 = tpu.memref_slice %arg19[%mul3A_2, %dma_start3A_139] : memref<10240x128xf32, #tpu.memory_space<vmem_shared>> -> memref<640x128xf32, #tpu.memory_space<vmem_shared>>
      %dma_start3A_141 = arith.constant 0 : i32
      %dma_start3A_142 = tpu.memref_slice %arg7[%mul3A_2, %dma_start3A_141] : memref<10240x128xf32, #tpu.memory_space<hbm>> -> memref<640x128xf32, #tpu.memory_space<hbm>>
      tpu.enqueue_dma source(%dma_start3A_142 : memref<640x128xf32, #tpu.memory_space<hbm>>) target(%dma_start3A_140 : memref<640x128xf32, #tpu.memory_space<vmem_shared>>) target_semaphore(%run_scoped3A : memref<!tpu.dma_semaphore, #tpu.memory_space<semaphore_mem>>)
      %dma_wait3A_143 = arith.constant 0 : i32
      %dma_wait3A_144 = tpu.memref_slice %arg19[%mul3A_2, %dma_wait3A_143] : memref<10240x128xf32, #tpu.memory_space<vmem_shared>> -> memref<640x128xf32, #tpu.memory_space<vmem_shared>>
      %dma_wait3A_145 = arith.constant 0 : i32
      %dma_wait3A_146 = tpu.memref_slice %arg7[%mul3A_2, %dma_wait3A_145] : memref<10240x128xf32, #tpu.memory_space<hbm>> -> memref<640x128xf32, #tpu.memory_space<hbm>>
      tpu.wait_dma2 semaphore(%run_scoped3A : memref<!tpu.dma_semaphore, #tpu.memory_space<semaphore_mem>>) src(%dma_wait3A_146 : memref<640x128xf32, #tpu.memory_space<hbm>>) dst(%dma_wait3A_144 : memref<640x128xf32, #tpu.memory_space<vmem_shared>>)
      tpu.yield
    }) : () -> ()
    %barrier3A = arith.constant 0 : index
    tpu.barrier barrier_id(%barrier3A)
    %mul3A_3 = arith.constant 10000 : i32
    %mul3A_4 = arith.muli %add3A, %mul3A_3 : i32
    %add3A_5 = arith.constant 0 : i32
    %add3A_6 = arith.addi %mul3A_4, %add3A_5 : i32
    %dma_start3A = tpu.memref_slice %arg4[%add3A_6] : memref<320000xi32, #tpu.memory_space<hbm>> -> memref<80xi32, #tpu.memory_space<hbm>>
    %dma_start3A_7 = tpu.memref_slice %arg4[%add3A_6] : memref<320000xi32, #tpu.memory_space<hbm>> -> memref<80xi32, #tpu.memory_space<hbm>>
    tpu.enqueue_dma source(%dma_start3A_7 : memref<80xi32, #tpu.memory_space<hbm>>) target(%arg9 : memref<80xi32, #tpu.memory_space<vmem>>) target_semaphore(%arg20 : memref<!tpu.dma_semaphore, #tpu.memory_space<semaphore_mem>>)
    %dma_start3A_8 = tpu.memref_slice %arg5[%add3A_6] : memref<320000xi32, #tpu.memory_space<hbm>> -> memref<80xi32, #tpu.memory_space<hbm>>
    %dma_start3A_9 = tpu.memref_slice %arg5[%add3A_6] : memref<320000xi32, #tpu.memory_space<hbm>> -> memref<80xi32, #tpu.memory_space<hbm>>
    tpu.enqueue_dma source(%dma_start3A_9 : memref<80xi32, #tpu.memory_space<hbm>>) target(%arg11 : memref<80xi32, #tpu.memory_space<vmem>>) target_semaphore(%arg20 : memref<!tpu.dma_semaphore, #tpu.memory_space<semaphore_mem>>)
    %dma_start3A_10 = tpu.memref_slice %arg6[%add3A_6] : memref<320000xi32, #tpu.memory_space<hbm>> -> memref<80xi32, #tpu.memory_space<hbm>>
    %dma_start3A_11 = tpu.memref_slice %arg6[%add3A_6] : memref<320000xi32, #tpu.memory_space<hbm>> -> memref<80xi32, #tpu.memory_space<hbm>>
    tpu.enqueue_dma source(%dma_start3A_11 : memref<80xi32, #tpu.memory_space<hbm>>) target(%arg13 : memref<80xi32, #tpu.memory_space<vmem>>) target_semaphore(%arg20 : memref<!tpu.dma_semaphore, #tpu.memory_space<semaphore_mem>>)
    %mul3A_12 = arith.constant 10000 : i32
    %mul3A_13 = arith.muli %add3A, %mul3A_12 : i32
    %add3A_14 = arith.constant 80 : i32
    %add3A_15 = arith.addi %mul3A_13, %add3A_14 : i32
    %dma_start3A_16 = tpu.memref_slice %arg4[%add3A_15] : memref<320000xi32, #tpu.memory_space<hbm>> -> memref<80xi32, #tpu.memory_space<hbm>>
    %dma_start3A_17 = tpu.memref_slice %arg4[%add3A_15] : memref<320000xi32, #tpu.memory_space<hbm>> -> memref<80xi32, #tpu.memory_space<hbm>>
    tpu.enqueue_dma source(%dma_start3A_17 : memref<80xi32, #tpu.memory_space<hbm>>) target(%arg10 : memref<80xi32, #tpu.memory_space<vmem>>) target_semaphore(%arg21 : memref<!tpu.dma_semaphore, #tpu.memory_space<semaphore_mem>>)
    %dma_start3A_18 = tpu.memref_slice %arg5[%add3A_15] : memref<320000xi32, #tpu.memory_space<hbm>> -> memref<80xi32, #tpu.memory_space<hbm>>
    %dma_start3A_19 = tpu.memref_slice %arg5[%add3A_15] : memref<320000xi32, #tpu.memory_space<hbm>> -> memref<80xi32, #tpu.memory_space<hbm>>
    tpu.enqueue_dma source(%dma_start3A_19 : memref<80xi32, #tpu.memory_space<hbm>>) target(%arg12 : memref<80xi32, #tpu.memory_space<vmem>>) target_semaphore(%arg21 : memref<!tpu.dma_semaphore, #tpu.memory_space<semaphore_mem>>)
    %dma_start3A_20 = tpu.memref_slice %arg6[%add3A_15] : memref<320000xi32, #tpu.memory_space<hbm>> -> memref<80xi32, #tpu.memory_space<hbm>>
    %dma_start3A_21 = tpu.memref_slice %arg6[%add3A_15] : memref<320000xi32, #tpu.memory_space<hbm>> -> memref<80xi32, #tpu.memory_space<hbm>>
    tpu.enqueue_dma source(%dma_start3A_21 : memref<80xi32, #tpu.memory_space<hbm>>) target(%arg14 : memref<80xi32, #tpu.memory_space<vmem>>) target_semaphore(%arg21 : memref<!tpu.dma_semaphore, #tpu.memory_space<semaphore_mem>>)
    %mul3A_22 = arith.constant 10000 : i32
    %mul3A_23 = arith.muli %add3A, %mul3A_22 : i32
    %add3A_24 = arith.constant 0 : i32
    %add3A_25 = arith.addi %mul3A_23, %add3A_24 : i32
    %dma_wait3A = tpu.memref_slice %arg4[%add3A_25] : memref<320000xi32, #tpu.memory_space<hbm>> -> memref<80xi32, #tpu.memory_space<hbm>>
    %dma_wait3A_26 = tpu.memref_slice %arg4[%add3A_25] : memref<320000xi32, #tpu.memory_space<hbm>> -> memref<80xi32, #tpu.memory_space<hbm>>
    tpu.wait_dma2 semaphore(%arg20 : memref<!tpu.dma_semaphore, #tpu.memory_space<semaphore_mem>>) src(%dma_wait3A_26 : memref<80xi32, #tpu.memory_space<hbm>>) dst(%arg9 : memref<80xi32, #tpu.memory_space<vmem>>)
    %dma_wait3A_27 = tpu.memref_slice %arg5[%add3A_25] : memref<320000xi32, #tpu.memory_space<hbm>> -> memref<80xi32, #tpu.memory_space<hbm>>
    %dma_wait3A_28 = tpu.memref_slice %arg5[%add3A_25] : memref<320000xi32, #tpu.memory_space<hbm>> -> memref<80xi32, #tpu.memory_space<hbm>>
    tpu.wait_dma2 semaphore(%arg20 : memref<!tpu.dma_semaphore, #tpu.memory_space<semaphore_mem>>) src(%dma_wait3A_28 : memref<80xi32, #tpu.memory_space<hbm>>) dst(%arg11 : memref<80xi32, #tpu.memory_space<vmem>>)
    %dma_wait3A_29 = tpu.memref_slice %arg6[%add3A_25] : memref<320000xi32, #tpu.memory_space<hbm>> -> memref<80xi32, #tpu.memory_space<hbm>>
    %dma_wait3A_30 = tpu.memref_slice %arg6[%add3A_25] : memref<320000xi32, #tpu.memory_space<hbm>> -> memref<80xi32, #tpu.memory_space<hbm>>
    tpu.wait_dma2 semaphore(%arg20 : memref<!tpu.dma_semaphore, #tpu.memory_space<semaphore_mem>>) src(%dma_wait3A_30 : memref<80xi32, #tpu.memory_space<hbm>>) dst(%arg13 : memref<80xi32, #tpu.memory_space<vmem>>)
    %dma_start3A_31 = arith.constant 0 : i32
    %dma_start3A_32 = arith.constant 0 : i32
    %dma_start3A_33 = tpu.memref_slice %arg2[%dma_start3A_31, %dma_start3A_32] : memref<10000x128xf32, #tpu.memory_space<hbm>> -> memref<10000x128xf32, #tpu.memory_space<hbm>>
    tpu.enqueue_indirect_dma source(%dma_start3A_33 : memref<10000x128xf32, #tpu.memory_space<hbm>>) target(%arg15 : memref<80x128xf32, #tpu.memory_space<vmem>>) offsets(%arg9 : memref<80xi32, #tpu.memory_space<vmem>>) semaphore(%arg22 : memref<!tpu.dma_semaphore, #tpu.memory_space<semaphore_mem>>)
    %dma_start3A_34 = arith.constant 0 : i32
    %dma_start3A_35 = arith.constant 0 : i32
    %dma_start3A_36 = tpu.memref_slice %arg3[%dma_start3A_34, %dma_start3A_35] : memref<200x128xf32, #tpu.memory_space<hbm>> -> memref<200x128xf32, #tpu.memory_space<hbm>>
    tpu.enqueue_indirect_dma source(%dma_start3A_36 : memref<200x128xf32, #tpu.memory_space<hbm>>) target(%arg17 : memref<80x128xf32, #tpu.memory_space<vmem>>) offsets(%arg13 : memref<80xi32, #tpu.memory_space<vmem>>) semaphore(%arg22 : memref<!tpu.dma_semaphore, #tpu.memory_space<semaphore_mem>>)
    %mul3A_37 = arith.constant 10000 : i32
    %mul3A_38 = arith.muli %add3A, %mul3A_37 : i32
    %add3A_39 = arith.constant 80 : i32
    %add3A_40 = arith.addi %mul3A_38, %add3A_39 : i32
    %dma_wait3A_41 = tpu.memref_slice %arg4[%add3A_40] : memref<320000xi32, #tpu.memory_space<hbm>> -> memref<80xi32, #tpu.memory_space<hbm>>
    %dma_wait3A_42 = tpu.memref_slice %arg4[%add3A_40] : memref<320000xi32, #tpu.memory_space<hbm>> -> memref<80xi32, #tpu.memory_space<hbm>>
    tpu.wait_dma2 semaphore(%arg21 : memref<!tpu.dma_semaphore, #tpu.memory_space<semaphore_mem>>) src(%dma_wait3A_42 : memref<80xi32, #tpu.memory_space<hbm>>) dst(%arg10 : memref<80xi32, #tpu.memory_space<vmem>>)
    %dma_wait3A_43 = tpu.memref_slice %arg5[%add3A_40] : memref<320000xi32, #tpu.memory_space<hbm>> -> memref<80xi32, #tpu.memory_space<hbm>>
    %dma_wait3A_44 = tpu.memref_slice %arg5[%add3A_40] : memref<320000xi32, #tpu.memory_space<hbm>> -> memref<80xi32, #tpu.memory_space<hbm>>
    tpu.wait_dma2 semaphore(%arg21 : memref<!tpu.dma_semaphore, #tpu.memory_space<semaphore_mem>>) src(%dma_wait3A_44 : memref<80xi32, #tpu.memory_space<hbm>>) dst(%arg12 : memref<80xi32, #tpu.memory_space<vmem>>)
    %dma_wait3A_45 = tpu.memref_slice %arg6[%add3A_40] : memref<320000xi32, #tpu.memory_space<hbm>> -> memref<80xi32, #tpu.memory_space<hbm>>
    %dma_wait3A_46 = tpu.memref_slice %arg6[%add3A_40] : memref<320000xi32, #tpu.memory_space<hbm>> -> memref<80xi32, #tpu.memory_space<hbm>>
    tpu.wait_dma2 semaphore(%arg21 : memref<!tpu.dma_semaphore, #tpu.memory_space<semaphore_mem>>) src(%dma_wait3A_46 : memref<80xi32, #tpu.memory_space<hbm>>) dst(%arg14 : memref<80xi32, #tpu.memory_space<vmem>>)
    %dma_start3A_47 = arith.constant 0 : i32
    %dma_start3A_48 = arith.constant 0 : i32
    %dma_start3A_49 = tpu.memref_slice %arg2[%dma_start3A_47, %dma_start3A_48] : memref<10000x128xf32, #tpu.memory_space<hbm>> -> memref<10000x128xf32, #tpu.memory_space<hbm>>
    tpu.enqueue_indirect_dma source(%dma_start3A_49 : memref<10000x128xf32, #tpu.memory_space<hbm>>) target(%arg16 : memref<80x128xf32, #tpu.memory_space<vmem>>) offsets(%arg10 : memref<80xi32, #tpu.memory_space<vmem>>) semaphore(%arg23 : memref<!tpu.dma_semaphore, #tpu.memory_space<semaphore_mem>>)
    %dma_start3A_50 = arith.constant 0 : i32
    %dma_start3A_51 = arith.constant 0 : i32
    %dma_start3A_52 = tpu.memref_slice %arg3[%dma_start3A_50, %dma_start3A_51] : memref<200x128xf32, #tpu.memory_space<hbm>> -> memref<200x128xf32, #tpu.memory_space<hbm>>
    tpu.enqueue_indirect_dma source(%dma_start3A_52 : memref<200x128xf32, #tpu.memory_space<hbm>>) target(%arg18 : memref<80x128xf32, #tpu.memory_space<vmem>>) offsets(%arg14 : memref<80xi32, #tpu.memory_space<vmem>>) semaphore(%arg23 : memref<!tpu.dma_semaphore, #tpu.memory_space<semaphore_mem>>)
    %scan3A = arith.constant 0 : i32
    %scan3A_53 = arith.constant 1 : i32
    %scan3A_54 = arith.constant 61 : i32
    %scan3A_55 = arith.addi %scan3A_53, %scan3A_54 : i32
    %scan3A_56 = arith.constant 1 : i32
    scf.for %scan3A_139 = %scan3A_53 to %scan3A_55 step %scan3A_56  : i32 {
      %mul3A_140 = arith.constant 2 : i32
      %mul3A_141 = arith.muli %mul3A_140, %scan3A_139 : i32
      %add3A_142 = arith.constant 0 : i32
      %add3A_143 = arith.addi %mul3A_141, %add3A_142 : i32
      %dma_wait3A_144 = arith.constant 0 : i32
      %dma_wait3A_145 = arith.constant 0 : i32
      %dma_wait3A_146 = tpu.memref_slice %arg2[%dma_wait3A_144, %dma_wait3A_145] : memref<10000x128xf32, #tpu.memory_space<hbm>> -> memref<10000x128xf32, #tpu.memory_space<hbm>>
      tpu.wait_indirect_dma semaphore(%arg22 : memref<!tpu.dma_semaphore, #tpu.memory_space<semaphore_mem>>) src(%dma_wait3A_146 : memref<10000x128xf32, #tpu.memory_space<hbm>>) dst(%arg15 : memref<80x128xf32, #tpu.memory_space<vmem>>)
      %dma_wait3A_147 = arith.constant 0 : i32
      %dma_wait3A_148 = arith.constant 0 : i32
      %dma_wait3A_149 = tpu.memref_slice %arg3[%dma_wait3A_147, %dma_wait3A_148] : memref<200x128xf32, #tpu.memory_space<hbm>> -> memref<200x128xf32, #tpu.memory_space<hbm>>
      tpu.wait_indirect_dma semaphore(%arg22 : memref<!tpu.dma_semaphore, #tpu.memory_space<semaphore_mem>>) src(%dma_wait3A_149 : memref<200x128xf32, #tpu.memory_space<hbm>>) dst(%arg17 : memref<80x128xf32, #tpu.memory_space<vmem>>)
      %dma_start3A_150 = arith.constant 0 : i32
      %dma_start3A_151 = arith.constant 0 : i32
      %dma_start3A_152 = tpu.memref_slice %arg19[%dma_start3A_150, %dma_start3A_151] : memref<10240x128xf32, #tpu.memory_space<vmem_shared>> -> memref<10240x128xf32, #tpu.memory_space<vmem_shared>>
      tpu.enqueue_indirect_dma source(%arg15 : memref<80x128xf32, #tpu.memory_space<vmem>>) target(%dma_start3A_152 : memref<10240x128xf32, #tpu.memory_space<vmem_shared>>) offsets(%arg11 : memref<80xi32, #tpu.memory_space<vmem>>) semaphore(%arg24 : memref<!tpu.dma_semaphore, #tpu.memory_space<semaphore_mem>>) {add = true}
      %dma_start3A_153 = arith.constant 0 : i32
      %dma_start3A_154 = arith.constant 0 : i32
      %dma_start3A_155 = tpu.memref_slice %arg19[%dma_start3A_153, %dma_start3A_154] : memref<10240x128xf32, #tpu.memory_space<vmem_shared>> -> memref<10240x128xf32, #tpu.memory_space<vmem_shared>>
      tpu.enqueue_indirect_dma source(%arg17 : memref<80x128xf32, #tpu.memory_space<vmem>>) target(%dma_start3A_155 : memref<10240x128xf32, #tpu.memory_space<vmem_shared>>) offsets(%arg11 : memref<80xi32, #tpu.memory_space<vmem>>) semaphore(%arg24 : memref<!tpu.dma_semaphore, #tpu.memory_space<semaphore_mem>>) {add = true}
      %dma_wait3A_156 = arith.constant 0 : i32
      %dma_wait3A_157 = arith.constant 0 : i32
      %dma_wait3A_158 = tpu.memref_slice %arg19[%dma_wait3A_156, %dma_wait3A_157] : memref<10240x128xf32, #tpu.memory_space<vmem_shared>> -> memref<10240x128xf32, #tpu.memory_space<vmem_shared>>
      tpu.wait_indirect_dma semaphore(%arg24 : memref<!tpu.dma_semaphore, #tpu.memory_space<semaphore_mem>>) src(%arg15 : memref<80x128xf32, #tpu.memory_space<vmem>>) dst(%dma_wait3A_158 : memref<10240x128xf32, #tpu.memory_space<vmem_shared>>)
      %dma_wait3A_159 = arith.constant 0 : i32
      %dma_wait3A_160 = arith.constant 0 : i32
      %dma_wait3A_161 = tpu.memref_slice %arg19[%dma_wait3A_159, %dma_wait3A_160] : memref<10240x128xf32, #tpu.memory_space<vmem_shared>> -> memref<10240x128xf32, #tpu.memory_space<vmem_shared>>
      tpu.wait_indirect_dma semaphore(%arg24 : memref<!tpu.dma_semaphore, #tpu.memory_space<semaphore_mem>>) src(%arg17 : memref<80x128xf32, #tpu.memory_space<vmem>>) dst(%dma_wait3A_161 : memref<10240x128xf32, #tpu.memory_space<vmem_shared>>)
      %mul3A_162 = arith.constant 10000 : i32
      %mul3A_163 = arith.muli %add3A, %mul3A_162 : i32
      %mul3A_164 = arith.constant 80 : i32
      %mul3A_165 = arith.muli %add3A_143, %mul3A_164 : i32
      %add3A_166 = arith.addi %mul3A_163, %mul3A_165 : i32
      %dma_start3A_167 = tpu.memref_slice %arg4[%add3A_166] : memref<320000xi32, #tpu.memory_space<hbm>> -> memref<80xi32, #tpu.memory_space<hbm>>
      %dma_start3A_168 = tpu.memref_slice %arg4[%add3A_166] : memref<320000xi32, #tpu.memory_space<hbm>> -> memref<80xi32, #tpu.memory_space<hbm>>
      tpu.enqueue_dma source(%dma_start3A_168 : memref<80xi32, #tpu.memory_space<hbm>>) target(%arg9 : memref<80xi32, #tpu.memory_space<vmem>>) target_semaphore(%arg20 : memref<!tpu.dma_semaphore, #tpu.memory_space<semaphore_mem>>)
      %dma_start3A_169 = tpu.memref_slice %arg5[%add3A_166] : memref<320000xi32, #tpu.memory_space<hbm>> -> memref<80xi32, #tpu.memory_space<hbm>>
      %dma_start3A_170 = tpu.memref_slice %arg5[%add3A_166] : memref<320000xi32, #tpu.memory_space<hbm>> -> memref<80xi32, #tpu.memory_space<hbm>>
      tpu.enqueue_dma source(%dma_start3A_170 : memref<80xi32, #tpu.memory_space<hbm>>) target(%arg11 : memref<80xi32, #tpu.memory_space<vmem>>) target_semaphore(%arg20 : memref<!tpu.dma_semaphore, #tpu.memory_space<semaphore_mem>>)
      %dma_start3A_171 = tpu.memref_slice %arg6[%add3A_166] : memref<320000xi32, #tpu.memory_space<hbm>> -> memref<80xi32, #tpu.memory_space<hbm>>
      %dma_start3A_172 = tpu.memref_slice %arg6[%add3A_166] : memref<320000xi32, #tpu.memory_space<hbm>> -> memref<80xi32, #tpu.memory_space<hbm>>
      tpu.enqueue_dma source(%dma_start3A_172 : memref<80xi32, #tpu.memory_space<hbm>>) target(%arg13 : memref<80xi32, #tpu.memory_space<vmem>>) target_semaphore(%arg20 : memref<!tpu.dma_semaphore, #tpu.memory_space<semaphore_mem>>)
      %mul3A_173 = arith.constant 10000 : i32
      %mul3A_174 = arith.muli %add3A, %mul3A_173 : i32
      %mul3A_175 = arith.constant 80 : i32
      %mul3A_176 = arith.muli %add3A_143, %mul3A_175 : i32
      %add3A_177 = arith.addi %mul3A_174, %mul3A_176 : i32
      %dma_wait3A_178 = tpu.memref_slice %arg4[%add3A_177] : memref<320000xi32, #tpu.memory_space<hbm>> -> memref<80xi32, #tpu.memory_space<hbm>>
      %dma_wait3A_179 = tpu.memref_slice %arg4[%add3A_177] : memref<320000xi32, #tpu.memory_space<hbm>> -> memref<80xi32, #tpu.memory_space<hbm>>
      tpu.wait_dma2 semaphore(%arg20 : memref<!tpu.dma_semaphore, #tpu.memory_space<semaphore_mem>>) src(%dma_wait3A_179 : memref<80xi32, #tpu.memory_space<hbm>>) dst(%arg9 : memref<80xi32, #tpu.memory_space<vmem>>)
      %dma_wait3A_180 = tpu.memref_slice %arg5[%add3A_177] : memref<320000xi32, #tpu.memory_space<hbm>> -> memref<80xi32, #tpu.memory_space<hbm>>
      %dma_wait3A_181 = tpu.memref_slice %arg5[%add3A_177] : memref<320000xi32, #tpu.memory_space<hbm>> -> memref<80xi32, #tpu.memory_space<hbm>>
      tpu.wait_dma2 semaphore(%arg20 : memref<!tpu.dma_semaphore, #tpu.memory_space<semaphore_mem>>) src(%dma_wait3A_181 : memref<80xi32, #tpu.memory_space<hbm>>) dst(%arg11 : memref<80xi32, #tpu.memory_space<vmem>>)
      %dma_wait3A_182 = tpu.memref_slice %arg6[%add3A_177] : memref<320000xi32, #tpu.memory_space<hbm>> -> memref<80xi32, #tpu.memory_space<hbm>>
      %dma_wait3A_183 = tpu.memref_slice %arg6[%add3A_177] : memref<320000xi32, #tpu.memory_space<hbm>> -> memref<80xi32, #tpu.memory_space<hbm>>
      tpu.wait_dma2 semaphore(%arg20 : memref<!tpu.dma_semaphore, #tpu.memory_space<semaphore_mem>>) src(%dma_wait3A_183 : memref<80xi32, #tpu.memory_space<hbm>>) dst(%arg13 : memref<80xi32, #tpu.memory_space<vmem>>)
      %dma_start3A_184 = arith.constant 0 : i32
      %dma_start3A_185 = arith.constant 0 : i32
      %dma_start3A_186 = tpu.memref_slice %arg2[%dma_start3A_184, %dma_start3A_185] : memref<10000x128xf32, #tpu.memory_space<hbm>> -> memref<10000x128xf32, #tpu.memory_space<hbm>>
      tpu.enqueue_indirect_dma source(%dma_start3A_186 : memref<10000x128xf32, #tpu.memory_space<hbm>>) target(%arg15 : memref<80x128xf32, #tpu.memory_space<vmem>>) offsets(%arg9 : memref<80xi32, #tpu.memory_space<vmem>>) semaphore(%arg22 : memref<!tpu.dma_semaphore, #tpu.memory_space<semaphore_mem>>)
      %dma_start3A_187 = arith.constant 0 : i32
      %dma_start3A_188 = arith.constant 0 : i32
      %dma_start3A_189 = tpu.memref_slice %arg3[%dma_start3A_187, %dma_start3A_188] : memref<200x128xf32, #tpu.memory_space<hbm>> -> memref<200x128xf32, #tpu.memory_space<hbm>>
      tpu.enqueue_indirect_dma source(%dma_start3A_189 : memref<200x128xf32, #tpu.memory_space<hbm>>) target(%arg17 : memref<80x128xf32, #tpu.memory_space<vmem>>) offsets(%arg13 : memref<80xi32, #tpu.memory_space<vmem>>) semaphore(%arg22 : memref<!tpu.dma_semaphore, #tpu.memory_space<semaphore_mem>>)
      %mul3A_190 = arith.constant 2 : i32
      %mul3A_191 = arith.muli %mul3A_190, %scan3A_139 : i32
      %add3A_192 = arith.constant 1 : i32
      %add3A_193 = arith.addi %mul3A_191, %add3A_192 : i32
      %dma_wait3A_194 = arith.constant 0 : i32
      %dma_wait3A_195 = arith.constant 0 : i32
      %dma_wait3A_196 = tpu.memref_slice %arg2[%dma_wait3A_194, %dma_wait3A_195] : memref<10000x128xf32, #tpu.memory_space<hbm>> -> memref<10000x128xf32, #tpu.memory_space<hbm>>
      tpu.wait_indirect_dma semaphore(%arg23 : memref<!tpu.dma_semaphore, #tpu.memory_space<semaphore_mem>>) src(%dma_wait3A_196 : memref<10000x128xf32, #tpu.memory_space<hbm>>) dst(%arg16 : memref<80x128xf32, #tpu.memory_space<vmem>>)
      %dma_wait3A_197 = arith.constant 0 : i32
      %dma_wait3A_198 = arith.constant 0 : i32
      %dma_wait3A_199 = tpu.memref_slice %arg3[%dma_wait3A_197, %dma_wait3A_198] : memref<200x128xf32, #tpu.memory_space<hbm>> -> memref<200x128xf32, #tpu.memory_space<hbm>>
      tpu.wait_indirect_dma semaphore(%arg23 : memref<!tpu.dma_semaphore, #tpu.memory_space<semaphore_mem>>) src(%dma_wait3A_199 : memref<200x128xf32, #tpu.memory_space<hbm>>) dst(%arg18 : memref<80x128xf32, #tpu.memory_space<vmem>>)
      %dma_start3A_200 = arith.constant 0 : i32
      %dma_start3A_201 = arith.constant 0 : i32
      %dma_start3A_202 = tpu.memref_slice %arg19[%dma_start3A_200, %dma_start3A_201] : memref<10240x128xf32, #tpu.memory_space<vmem_shared>> -> memref<10240x128xf32, #tpu.memory_space<vmem_shared>>
      tpu.enqueue_indirect_dma source(%arg16 : memref<80x128xf32, #tpu.memory_space<vmem>>) target(%dma_start3A_202 : memref<10240x128xf32, #tpu.memory_space<vmem_shared>>) offsets(%arg12 : memref<80xi32, #tpu.memory_space<vmem>>) semaphore(%arg25 : memref<!tpu.dma_semaphore, #tpu.memory_space<semaphore_mem>>) {add = true}
      %dma_start3A_203 = arith.constant 0 : i32
      %dma_start3A_204 = arith.constant 0 : i32
      %dma_start3A_205 = tpu.memref_slice %arg19[%dma_start3A_203, %dma_start3A_204] : memref<10240x128xf32, #tpu.memory_space<vmem_shared>> -> memref<10240x128xf32, #tpu.memory_space<vmem_shared>>
      tpu.enqueue_indirect_dma source(%arg18 : memref<80x128xf32, #tpu.memory_space<vmem>>) target(%dma_start3A_205 : memref<10240x128xf32, #tpu.memory_space<vmem_shared>>) offsets(%arg12 : memref<80xi32, #tpu.memory_space<vmem>>) semaphore(%arg25 : memref<!tpu.dma_semaphore, #tpu.memory_space<semaphore_mem>>) {add = true}
      %dma_wait3A_206 = arith.constant 0 : i32
      %dma_wait3A_207 = arith.constant 0 : i32
      %dma_wait3A_208 = tpu.memref_slice %arg19[%dma_wait3A_206, %dma_wait3A_207] : memref<10240x128xf32, #tpu.memory_space<vmem_shared>> -> memref<10240x128xf32, #tpu.memory_space<vmem_shared>>
      tpu.wait_indirect_dma semaphore(%arg25 : memref<!tpu.dma_semaphore, #tpu.memory_space<semaphore_mem>>) src(%arg16 : memref<80x128xf32, #tpu.memory_space<vmem>>) dst(%dma_wait3A_208 : memref<10240x128xf32, #tpu.memory_space<vmem_shared>>)
      %dma_wait3A_209 = arith.constant 0 : i32
      %dma_wait3A_210 = arith.constant 0 : i32
      %dma_wait3A_211 = tpu.memref_slice %arg19[%dma_wait3A_209, %dma_wait3A_210] : memref<10240x128xf32, #tpu.memory_space<vmem_shared>> -> memref<10240x128xf32, #tpu.memory_space<vmem_shared>>
      tpu.wait_indirect_dma semaphore(%arg25 : memref<!tpu.dma_semaphore, #tpu.memory_space<semaphore_mem>>) src(%arg18 : memref<80x128xf32, #tpu.memory_space<vmem>>) dst(%dma_wait3A_211 : memref<10240x128xf32, #tpu.memory_space<vmem_shared>>)
      %mul3A_212 = arith.constant 10000 : i32
      %mul3A_213 = arith.muli %add3A, %mul3A_212 : i32
      %mul3A_214 = arith.constant 80 : i32
      %mul3A_215 = arith.muli %add3A_193, %mul3A_214 : i32
      %add3A_216 = arith.addi %mul3A_213, %mul3A_215 : i32
      %dma_start3A_217 = tpu.memref_slice %arg4[%add3A_216] : memref<320000xi32, #tpu.memory_space<hbm>> -> memref<80xi32, #tpu.memory_space<hbm>>
      %dma_start3A_218 = tpu.memref_slice %arg4[%add3A_216] : memref<320000xi32, #tpu.memory_space<hbm>> -> memref<80xi32, #tpu.memory_space<hbm>>
      tpu.enqueue_dma source(%dma_start3A_218 : memref<80xi32, #tpu.memory_space<hbm>>) target(%arg10 : memref<80xi32, #tpu.memory_space<vmem>>) target_semaphore(%arg21 : memref<!tpu.dma_semaphore, #tpu.memory_space<semaphore_mem>>)
      %dma_start3A_219 = tpu.memref_slice %arg5[%add3A_216] : memref<320000xi32, #tpu.memory_space<hbm>> -> memref<80xi32, #tpu.memory_space<hbm>>
      %dma_start3A_220 = tpu.memref_slice %arg5[%add3A_216] : memref<320000xi32, #tpu.memory_space<hbm>> -> memref<80xi32, #tpu.memory_space<hbm>>
      tpu.enqueue_dma source(%dma_start3A_220 : memref<80xi32, #tpu.memory_space<hbm>>) target(%arg12 : memref<80xi32, #tpu.memory_space<vmem>>) target_semaphore(%arg21 : memref<!tpu.dma_semaphore, #tpu.memory_space<semaphore_mem>>)
      %dma_start3A_221 = tpu.memref_slice %arg6[%add3A_216] : memref<320000xi32, #tpu.memory_space<hbm>> -> memref<80xi32, #tpu.memory_space<hbm>>
      %dma_start3A_222 = tpu.memref_slice %arg6[%add3A_216] : memref<320000xi32, #tpu.memory_space<hbm>> -> memref<80xi32, #tpu.memory_space<hbm>>
      tpu.enqueue_dma source(%dma_start3A_222 : memref<80xi32, #tpu.memory_space<hbm>>) target(%arg14 : memref<80xi32, #tpu.memory_space<vmem>>) target_semaphore(%arg21 : memref<!tpu.dma_semaphore, #tpu.memory_space<semaphore_mem>>)
      %mul3A_223 = arith.constant 10000 : i32
      %mul3A_224 = arith.muli %add3A, %mul3A_223 : i32
      %mul3A_225 = arith.constant 80 : i32
      %mul3A_226 = arith.muli %add3A_193, %mul3A_225 : i32
      %add3A_227 = arith.addi %mul3A_224, %mul3A_226 : i32
      %dma_wait3A_228 = tpu.memref_slice %arg4[%add3A_227] : memref<320000xi32, #tpu.memory_space<hbm>> -> memref<80xi32, #tpu.memory_space<hbm>>
      %dma_wait3A_229 = tpu.memref_slice %arg4[%add3A_227] : memref<320000xi32, #tpu.memory_space<hbm>> -> memref<80xi32, #tpu.memory_space<hbm>>
      tpu.wait_dma2 semaphore(%arg21 : memref<!tpu.dma_semaphore, #tpu.memory_space<semaphore_mem>>) src(%dma_wait3A_229 : memref<80xi32, #tpu.memory_space<hbm>>) dst(%arg10 : memref<80xi32, #tpu.memory_space<vmem>>)
      %dma_wait3A_230 = tpu.memref_slice %arg5[%add3A_227] : memref<320000xi32, #tpu.memory_space<hbm>> -> memref<80xi32, #tpu.memory_space<hbm>>
      %dma_wait3A_231 = tpu.memref_slice %arg5[%add3A_227] : memref<320000xi32, #tpu.memory_space<hbm>> -> memref<80xi32, #tpu.memory_space<hbm>>
      tpu.wait_dma2 semaphore(%arg21 : memref<!tpu.dma_semaphore, #tpu.memory_space<semaphore_mem>>) src(%dma_wait3A_231 : memref<80xi32, #tpu.memory_space<hbm>>) dst(%arg12 : memref<80xi32, #tpu.memory_space<vmem>>)
      %dma_wait3A_232 = tpu.memref_slice %arg6[%add3A_227] : memref<320000xi32, #tpu.memory_space<hbm>> -> memref<80xi32, #tpu.memory_space<hbm>>
      %dma_wait3A_233 = tpu.memref_slice %arg6[%add3A_227] : memref<320000xi32, #tpu.memory_space<hbm>> -> memref<80xi32, #tpu.memory_space<hbm>>
      tpu.wait_dma2 semaphore(%arg21 : memref<!tpu.dma_semaphore, #tpu.memory_space<semaphore_mem>>) src(%dma_wait3A_233 : memref<80xi32, #tpu.memory_space<hbm>>) dst(%arg14 : memref<80xi32, #tpu.memory_space<vmem>>)
      %dma_start3A_234 = arith.constant 0 : i32
      %dma_start3A_235 = arith.constant 0 : i32
      %dma_start3A_236 = tpu.memref_slice %arg2[%dma_start3A_234, %dma_start3A_235] : memref<10000x128xf32, #tpu.memory_space<hbm>> -> memref<10000x128xf32, #tpu.memory_space<hbm>>
      tpu.enqueue_indirect_dma source(%dma_start3A_236 : memref<10000x128xf32, #tpu.memory_space<hbm>>) target(%arg16 : memref<80x128xf32, #tpu.memory_space<vmem>>) offsets(%arg10 : memref<80xi32, #tpu.memory_space<vmem>>) semaphore(%arg23 : memref<!tpu.dma_semaphore, #tpu.memory_space<semaphore_mem>>)
      %dma_start3A_237 = arith.constant 0 : i32
      %dma_start3A_238 = arith.constant 0 : i32
      %dma_start3A_239 = tpu.memref_slice %arg3[%dma_start3A_237, %dma_start3A_238] : memref<200x128xf32, #tpu.memory_space<hbm>> -> memref<200x128xf32, #tpu.memory_space<hbm>>
      tpu.enqueue_indirect_dma source(%dma_start3A_239 : memref<200x128xf32, #tpu.memory_space<hbm>>) target(%arg18 : memref<80x128xf32, #tpu.memory_space<vmem>>) offsets(%arg14 : memref<80xi32, #tpu.memory_space<vmem>>) semaphore(%arg23 : memref<!tpu.dma_semaphore, #tpu.memory_space<semaphore_mem>>)
    }
    %scan3A_57 = arith.constant 61 : i32
    %dma_wait3A_58 = arith.constant 0 : i32
    %dma_wait3A_59 = arith.constant 0 : i32
    %dma_wait3A_60 = tpu.memref_slice %arg2[%dma_wait3A_58, %dma_wait3A_59] : memref<10000x128xf32, #tpu.memory_space<hbm>> -> memref<10000x128xf32, #tpu.memory_space<hbm>>
    tpu.wait_indirect_dma semaphore(%arg22 : memref<!tpu.dma_semaphore, #tpu.memory_space<semaphore_mem>>) src(%dma_wait3A_60 : memref<10000x128xf32, #tpu.memory_space<hbm>>) dst(%arg15 : memref<80x128xf32, #tpu.memory_space<vmem>>)
    %dma_wait3A_61 = arith.constant 0 : i32
    %dma_wait3A_62 = arith.constant 0 : i32
    %dma_wait3A_63 = tpu.memref_slice %arg3[%dma_wait3A_61, %dma_wait3A_62] : memref<200x128xf32, #tpu.memory_space<hbm>> -> memref<200x128xf32, #tpu.memory_space<hbm>>
    tpu.wait_indirect_dma semaphore(%arg22 : memref<!tpu.dma_semaphore, #tpu.memory_space<semaphore_mem>>) src(%dma_wait3A_63 : memref<200x128xf32, #tpu.memory_space<hbm>>) dst(%arg17 : memref<80x128xf32, #tpu.memory_space<vmem>>)
    %dma_start3A_64 = arith.constant 0 : i32
    %dma_start3A_65 = arith.constant 0 : i32
    %dma_start3A_66 = tpu.memref_slice %arg19[%dma_start3A_64, %dma_start3A_65] : memref<10240x128xf32, #tpu.memory_space<vmem_shared>> -> memref<10240x128xf32, #tpu.memory_space<vmem_shared>>
    tpu.enqueue_indirect_dma source(%arg15 : memref<80x128xf32, #tpu.memory_space<vmem>>) target(%dma_start3A_66 : memref<10240x128xf32, #tpu.memory_space<vmem_shared>>) offsets(%arg11 : memref<80xi32, #tpu.memory_space<vmem>>) semaphore(%arg24 : memref<!tpu.dma_semaphore, #tpu.memory_space<semaphore_mem>>) {add = true}
    %dma_start3A_67 = arith.constant 0 : i32
    %dma_start3A_68 = arith.constant 0 : i32
    %dma_start3A_69 = tpu.memref_slice %arg19[%dma_start3A_67, %dma_start3A_68] : memref<10240x128xf32, #tpu.memory_space<vmem_shared>> -> memref<10240x128xf32, #tpu.memory_space<vmem_shared>>
    tpu.enqueue_indirect_dma source(%arg17 : memref<80x128xf32, #tpu.memory_space<vmem>>) target(%dma_start3A_69 : memref<10240x128xf32, #tpu.memory_space<vmem_shared>>) offsets(%arg11 : memref<80xi32, #tpu.memory_space<vmem>>) semaphore(%arg24 : memref<!tpu.dma_semaphore, #tpu.memory_space<semaphore_mem>>) {add = true}
    %dma_wait3A_70 = arith.constant 0 : i32
    %dma_wait3A_71 = arith.constant 0 : i32
    %dma_wait3A_72 = tpu.memref_slice %arg19[%dma_wait3A_70, %dma_wait3A_71] : memref<10240x128xf32, #tpu.memory_space<vmem_shared>> -> memref<10240x128xf32, #tpu.memory_space<vmem_shared>>
    tpu.wait_indirect_dma semaphore(%arg24 : memref<!tpu.dma_semaphore, #tpu.memory_space<semaphore_mem>>) src(%arg15 : memref<80x128xf32, #tpu.memory_space<vmem>>) dst(%dma_wait3A_72 : memref<10240x128xf32, #tpu.memory_space<vmem_shared>>)
    %dma_wait3A_73 = arith.constant 0 : i32
    %dma_wait3A_74 = arith.constant 0 : i32
    %dma_wait3A_75 = tpu.memref_slice %arg19[%dma_wait3A_73, %dma_wait3A_74] : memref<10240x128xf32, #tpu.memory_space<vmem_shared>> -> memref<10240x128xf32, #tpu.memory_space<vmem_shared>>
    tpu.wait_indirect_dma semaphore(%arg24 : memref<!tpu.dma_semaphore, #tpu.memory_space<semaphore_mem>>) src(%arg17 : memref<80x128xf32, #tpu.memory_space<vmem>>) dst(%dma_wait3A_75 : memref<10240x128xf32, #tpu.memory_space<vmem_shared>>)
    %mul3A_76 = arith.constant 10000 : i32
    %mul3A_77 = arith.muli %add3A, %mul3A_76 : i32
    %add3A_78 = arith.constant 9920 : i32
    %add3A_79 = arith.addi %mul3A_77, %add3A_78 : i32
    %dma_start3A_80 = tpu.memref_slice %arg4[%add3A_79] : memref<320000xi32, #tpu.memory_space<hbm>> -> memref<80xi32, #tpu.memory_space<hbm>>
    %dma_start3A_81 = tpu.memref_slice %arg4[%add3A_79] : memref<320000xi32, #tpu.memory_space<hbm>> -> memref<80xi32, #tpu.memory_space<hbm>>
    tpu.enqueue_dma source(%dma_start3A_81 : memref<80xi32, #tpu.memory_space<hbm>>) target(%arg9 : memref<80xi32, #tpu.memory_space<vmem>>) target_semaphore(%arg20 : memref<!tpu.dma_semaphore, #tpu.memory_space<semaphore_mem>>)
    %dma_start3A_82 = tpu.memref_slice %arg5[%add3A_79] : memref<320000xi32, #tpu.memory_space<hbm>> -> memref<80xi32, #tpu.memory_space<hbm>>
    %dma_start3A_83 = tpu.memref_slice %arg5[%add3A_79] : memref<320000xi32, #tpu.memory_space<hbm>> -> memref<80xi32, #tpu.memory_space<hbm>>
    tpu.enqueue_dma source(%dma_start3A_83 : memref<80xi32, #tpu.memory_space<hbm>>) target(%arg11 : memref<80xi32, #tpu.memory_space<vmem>>) target_semaphore(%arg20 : memref<!tpu.dma_semaphore, #tpu.memory_space<semaphore_mem>>)
    %dma_start3A_84 = tpu.memref_slice %arg6[%add3A_79] : memref<320000xi32, #tpu.memory_space<hbm>> -> memref<80xi32, #tpu.memory_space<hbm>>
    %dma_start3A_85 = tpu.memref_slice %arg6[%add3A_79] : memref<320000xi32, #tpu.memory_space<hbm>> -> memref<80xi32, #tpu.memory_space<hbm>>
    tpu.enqueue_dma source(%dma_start3A_85 : memref<80xi32, #tpu.memory_space<hbm>>) target(%arg13 : memref<80xi32, #tpu.memory_space<vmem>>) target_semaphore(%arg20 : memref<!tpu.dma_semaphore, #tpu.memory_space<semaphore_mem>>)
    %mul3A_86 = arith.constant 10000 : i32
    %mul3A_87 = arith.muli %add3A, %mul3A_86 : i32
    %add3A_88 = arith.constant 9920 : i32
    %add3A_89 = arith.addi %mul3A_87, %add3A_88 : i32
    %dma_wait3A_90 = tpu.memref_slice %arg4[%add3A_89] : memref<320000xi32, #tpu.memory_space<hbm>> -> memref<80xi32, #tpu.memory_space<hbm>>
    %dma_wait3A_91 = tpu.memref_slice %arg4[%add3A_89] : memref<320000xi32, #tpu.memory_space<hbm>> -> memref<80xi32, #tpu.memory_space<hbm>>
    tpu.wait_dma2 semaphore(%arg20 : memref<!tpu.dma_semaphore, #tpu.memory_space<semaphore_mem>>) src(%dma_wait3A_91 : memref<80xi32, #tpu.memory_space<hbm>>) dst(%arg9 : memref<80xi32, #tpu.memory_space<vmem>>)
    %dma_wait3A_92 = tpu.memref_slice %arg5[%add3A_89] : memref<320000xi32, #tpu.memory_space<hbm>> -> memref<80xi32, #tpu.memory_space<hbm>>
    %dma_wait3A_93 = tpu.memref_slice %arg5[%add3A_89] : memref<320000xi32, #tpu.memory_space<hbm>> -> memref<80xi32, #tpu.memory_space<hbm>>
    tpu.wait_dma2 semaphore(%arg20 : memref<!tpu.dma_semaphore, #tpu.memory_space<semaphore_mem>>) src(%dma_wait3A_93 : memref<80xi32, #tpu.memory_space<hbm>>) dst(%arg11 : memref<80xi32, #tpu.memory_space<vmem>>)
    %dma_wait3A_94 = tpu.memref_slice %arg6[%add3A_89] : memref<320000xi32, #tpu.memory_space<hbm>> -> memref<80xi32, #tpu.memory_space<hbm>>
    %dma_wait3A_95 = tpu.memref_slice %arg6[%add3A_89] : memref<320000xi32, #tpu.memory_space<hbm>> -> memref<80xi32, #tpu.memory_space<hbm>>
    tpu.wait_dma2 semaphore(%arg20 : memref<!tpu.dma_semaphore, #tpu.memory_space<semaphore_mem>>) src(%dma_wait3A_95 : memref<80xi32, #tpu.memory_space<hbm>>) dst(%arg13 : memref<80xi32, #tpu.memory_space<vmem>>)
    %dma_start3A_96 = arith.constant 0 : i32
    %dma_start3A_97 = arith.constant 0 : i32
    %dma_start3A_98 = tpu.memref_slice %arg2[%dma_start3A_96, %dma_start3A_97] : memref<10000x128xf32, #tpu.memory_space<hbm>> -> memref<10000x128xf32, #tpu.memory_space<hbm>>
    tpu.enqueue_indirect_dma source(%dma_start3A_98 : memref<10000x128xf32, #tpu.memory_space<hbm>>) target(%arg15 : memref<80x128xf32, #tpu.memory_space<vmem>>) offsets(%arg9 : memref<80xi32, #tpu.memory_space<vmem>>) semaphore(%arg22 : memref<!tpu.dma_semaphore, #tpu.memory_space<semaphore_mem>>)
    %dma_start3A_99 = arith.constant 0 : i32
    %dma_start3A_100 = arith.constant 0 : i32
    %dma_start3A_101 = tpu.memref_slice %arg3[%dma_start3A_99, %dma_start3A_100] : memref<200x128xf32, #tpu.memory_space<hbm>> -> memref<200x128xf32, #tpu.memory_space<hbm>>
    tpu.enqueue_indirect_dma source(%dma_start3A_101 : memref<200x128xf32, #tpu.memory_space<hbm>>) target(%arg17 : memref<80x128xf32, #tpu.memory_space<vmem>>) offsets(%arg13 : memref<80xi32, #tpu.memory_space<vmem>>) semaphore(%arg22 : memref<!tpu.dma_semaphore, #tpu.memory_space<semaphore_mem>>)
    %dma_wait3A_102 = arith.constant 0 : i32
    %dma_wait3A_103 = arith.constant 0 : i32
    %dma_wait3A_104 = tpu.memref_slice %arg2[%dma_wait3A_102, %dma_wait3A_103] : memref<10000x128xf32, #tpu.memory_space<hbm>> -> memref<10000x128xf32, #tpu.memory_space<hbm>>
    tpu.wait_indirect_dma semaphore(%arg23 : memref<!tpu.dma_semaphore, #tpu.memory_space<semaphore_mem>>) src(%dma_wait3A_104 : memref<10000x128xf32, #tpu.memory_space<hbm>>) dst(%arg16 : memref<80x128xf32, #tpu.memory_space<vmem>>)
    %dma_wait3A_105 = arith.constant 0 : i32
    %dma_wait3A_106 = arith.constant 0 : i32
    %dma_wait3A_107 = tpu.memref_slice %arg3[%dma_wait3A_105, %dma_wait3A_106] : memref<200x128xf32, #tpu.memory_space<hbm>> -> memref<200x128xf32, #tpu.memory_space<hbm>>
    tpu.wait_indirect_dma semaphore(%arg23 : memref<!tpu.dma_semaphore, #tpu.memory_space<semaphore_mem>>) src(%dma_wait3A_107 : memref<200x128xf32, #tpu.memory_space<hbm>>) dst(%arg18 : memref<80x128xf32, #tpu.memory_space<vmem>>)
    %dma_start3A_108 = arith.constant 0 : i32
    %dma_start3A_109 = arith.constant 0 : i32
    %dma_start3A_110 = tpu.memref_slice %arg19[%dma_start3A_108, %dma_start3A_109] : memref<10240x128xf32, #tpu.memory_space<vmem_shared>> -> memref<10240x128xf32, #tpu.memory_space<vmem_shared>>
    tpu.enqueue_indirect_dma source(%arg16 : memref<80x128xf32, #tpu.memory_space<vmem>>) target(%dma_start3A_110 : memref<10240x128xf32, #tpu.memory_space<vmem_shared>>) offsets(%arg12 : memref<80xi32, #tpu.memory_space<vmem>>) semaphore(%arg25 : memref<!tpu.dma_semaphore, #tpu.memory_space<semaphore_mem>>) {add = true}
    %dma_start3A_111 = arith.constant 0 : i32
    %dma_start3A_112 = arith.constant 0 : i32
    %dma_start3A_113 = tpu.memref_slice %arg19[%dma_start3A_111, %dma_start3A_112] : memref<10240x128xf32, #tpu.memory_space<vmem_shared>> -> memref<10240x128xf32, #tpu.memory_space<vmem_shared>>
    tpu.enqueue_indirect_dma source(%arg18 : memref<80x128xf32, #tpu.memory_space<vmem>>) target(%dma_start3A_113 : memref<10240x128xf32, #tpu.memory_space<vmem_shared>>) offsets(%arg12 : memref<80xi32, #tpu.memory_space<vmem>>) semaphore(%arg25 : memref<!tpu.dma_semaphore, #tpu.memory_space<semaphore_mem>>) {add = true}
    %dma_wait3A_114 = arith.constant 0 : i32
    %dma_wait3A_115 = arith.constant 0 : i32
    %dma_wait3A_116 = tpu.memref_slice %arg19[%dma_wait3A_114, %dma_wait3A_115] : memref<10240x128xf32, #tpu.memory_space<vmem_shared>> -> memref<10240x128xf32, #tpu.memory_space<vmem_shared>>
    tpu.wait_indirect_dma semaphore(%arg25 : memref<!tpu.dma_semaphore, #tpu.memory_space<semaphore_mem>>) src(%arg16 : memref<80x128xf32, #tpu.memory_space<vmem>>) dst(%dma_wait3A_116 : memref<10240x128xf32, #tpu.memory_space<vmem_shared>>)
    %dma_wait3A_117 = arith.constant 0 : i32
    %dma_wait3A_118 = arith.constant 0 : i32
    %dma_wait3A_119 = tpu.memref_slice %arg19[%dma_wait3A_117, %dma_wait3A_118] : memref<10240x128xf32, #tpu.memory_space<vmem_shared>> -> memref<10240x128xf32, #tpu.memory_space<vmem_shared>>
    tpu.wait_indirect_dma semaphore(%arg25 : memref<!tpu.dma_semaphore, #tpu.memory_space<semaphore_mem>>) src(%arg18 : memref<80x128xf32, #tpu.memory_space<vmem>>) dst(%dma_wait3A_119 : memref<10240x128xf32, #tpu.memory_space<vmem_shared>>)
    %dma_wait3A_120 = arith.constant 0 : i32
    %dma_wait3A_121 = arith.constant 0 : i32
    %dma_wait3A_122 = tpu.memref_slice %arg2[%dma_wait3A_120, %dma_wait3A_121] : memref<10000x128xf32, #tpu.memory_space<hbm>> -> memref<10000x128xf32, #tpu.memory_space<hbm>>
    tpu.wait_indirect_dma semaphore(%arg22 : memref<!tpu.dma_semaphore, #tpu.memory_space<semaphore_mem>>) src(%dma_wait3A_122 : memref<10000x128xf32, #tpu.memory_space<hbm>>) dst(%arg15 : memref<80x128xf32, #tpu.memory_space<vmem>>)
    %dma_wait3A_123 = arith.constant 0 : i32
    %dma_wait3A_124 = arith.constant 0 : i32
    %dma_wait3A_125 = tpu.memref_slice %arg3[%dma_wait3A_123, %dma_wait3A_124] : memref<200x128xf32, #tpu.memory_space<hbm>> -> memref<200x128xf32, #tpu.memory_space<hbm>>
    tpu.wait_indirect_dma semaphore(%arg22 : memref<!tpu.dma_semaphore, #tpu.memory_space<semaphore_mem>>) src(%dma_wait3A_125 : memref<200x128xf32, #tpu.memory_space<hbm>>) dst(%arg17 : memref<80x128xf32, #tpu.memory_space<vmem>>)
    %dma_start3A_126 = arith.constant 0 : i32
    %dma_start3A_127 = arith.constant 0 : i32
    %dma_start3A_128 = tpu.memref_slice %arg19[%dma_start3A_126, %dma_start3A_127] : memref<10240x128xf32, #tpu.memory_space<vmem_shared>> -> memref<10240x128xf32, #tpu.memory_space<vmem_shared>>
    tpu.enqueue_indirect_dma source(%arg15 : memref<80x128xf32, #tpu.memory_space<vmem>>) target(%dma_start3A_128 : memref<10240x128xf32, #tpu.memory_space<vmem_shared>>) offsets(%arg11 : memref<80xi32, #tpu.memory_space<vmem>>) semaphore(%arg24 : memref<!tpu.dma_semaphore, #tpu.memory_space<semaphore_mem>>) {add = true}
    %dma_start3A_129 = arith.constant 0 : i32
    %dma_start3A_130 = arith.constant 0 : i32
    %dma_start3A_131 = tpu.memref_slice %arg19[%dma_start3A_129, %dma_start3A_130] : memref<10240x128xf32, #tpu.memory_space<vmem_shared>> -> memref<10240x128xf32, #tpu.memory_space<vmem_shared>>
    tpu.enqueue_indirect_dma source(%arg17 : memref<80x128xf32, #tpu.memory_space<vmem>>) target(%dma_start3A_131 : memref<10240x128xf32, #tpu.memory_space<vmem_shared>>) offsets(%arg11 : memref<80xi32, #tpu.memory_space<vmem>>) semaphore(%arg24 : memref<!tpu.dma_semaphore, #tpu.memory_space<semaphore_mem>>) {add = true}
    %dma_wait3A_132 = arith.constant 0 : i32
    %dma_wait3A_133 = arith.constant 0 : i32
    %dma_wait3A_134 = tpu.memref_slice %arg19[%dma_wait3A_132, %dma_wait3A_133] : memref<10240x128xf32, #tpu.memory_space<vmem_shared>> -> memref<10240x128xf32, #tpu.memory_space<vmem_shared>>
    tpu.wait_indirect_dma semaphore(%arg24 : memref<!tpu.dma_semaphore, #tpu.memory_space<semaphore_mem>>) src(%arg15 : memref<80x128xf32, #tpu.memory_space<vmem>>) dst(%dma_wait3A_134 : memref<10240x128xf32, #tpu.memory_space<vmem_shared>>)
    %dma_wait3A_135 = arith.constant 0 : i32
    %dma_wait3A_136 = arith.constant 0 : i32
    %dma_wait3A_137 = tpu.memref_slice %arg19[%dma_wait3A_135, %dma_wait3A_136] : memref<10240x128xf32, #tpu.memory_space<vmem_shared>> -> memref<10240x128xf32, #tpu.memory_space<vmem_shared>>
    tpu.wait_indirect_dma semaphore(%arg24 : memref<!tpu.dma_semaphore, #tpu.memory_space<semaphore_mem>>) src(%arg17 : memref<80x128xf32, #tpu.memory_space<vmem>>) dst(%dma_wait3A_137 : memref<10240x128xf32, #tpu.memory_space<vmem_shared>>)
    %barrier3A_138 = arith.constant 0 : index
    tpu.barrier barrier_id(%barrier3A_138)
    "tpu.region"() ({
      %run_scoped3A = tpu.sem_alloc : memref<!tpu.dma_semaphore, #tpu.memory_space<semaphore_mem>>
      %dma_start3A_139 = arith.constant 0 : i32
      %dma_start3A_140 = tpu.memref_slice %arg8[%arg0, %mul3A_2, %dma_start3A_139] : memref<2x10240x128xf32, #tpu.memory_space<hbm>> -> memref<1x640x128xf32, #tpu.memory_space<hbm>>
      %dma_start3A_141 = tpu.memref_squeeze %dma_start3A_140 : memref<1x640x128xf32, #tpu.memory_space<hbm>> -> memref<640x128xf32, #tpu.memory_space<hbm>>
      %dma_start3A_142 = arith.constant 0 : i32
      %dma_start3A_143 = tpu.memref_slice %arg19[%mul3A_2, %dma_start3A_142] : memref<10240x128xf32, #tpu.memory_space<vmem_shared>> -> memref<640x128xf32, #tpu.memory_space<vmem_shared>>
      tpu.enqueue_dma source(%dma_start3A_143 : memref<640x128xf32, #tpu.memory_space<vmem_shared>>) target(%dma_start3A_141 : memref<640x128xf32, #tpu.memory_space<hbm>>) target_semaphore(%run_scoped3A : memref<!tpu.dma_semaphore, #tpu.memory_space<semaphore_mem>>)
      %dma_wait3A_144 = arith.constant 0 : i32
      %dma_wait3A_145 = tpu.memref_slice %arg8[%arg0, %mul3A_2, %dma_wait3A_144] : memref<2x10240x128xf32, #tpu.memory_space<hbm>> -> memref<1x640x128xf32, #tpu.memory_space<hbm>>
      %dma_wait3A_146 = tpu.memref_squeeze %dma_wait3A_145 : memref<1x640x128xf32, #tpu.memory_space<hbm>> -> memref<640x128xf32, #tpu.memory_space<hbm>>
      %dma_wait3A_147 = arith.constant 0 : i32
      %dma_wait3A_148 = tpu.memref_slice %arg19[%mul3A_2, %dma_wait3A_147] : memref<10240x128xf32, #tpu.memory_space<vmem_shared>> -> memref<640x128xf32, #tpu.memory_space<vmem_shared>>
      tpu.wait_dma2 semaphore(%run_scoped3A : memref<!tpu.dma_semaphore, #tpu.memory_space<semaphore_mem>>) src(%dma_wait3A_148 : memref<640x128xf32, #tpu.memory_space<vmem_shared>>) dst(%dma_wait3A_146 : memref<640x128xf32, #tpu.memory_space<hbm>>)
      tpu.yield
    }) : () -> ()
    return
  }
}

module attributes {stable_mosaic.version = 14 : i64} {
  func.func @_precompute_body(%arg0: memref<10000x128xf32, #tpu.memory_space<vmem>>, %arg1: memref<10000x8xf32, #tpu.memory_space<vmem>>, %arg2: memref<128x128xf32, #tpu.memory_space<vmem>>, %arg3: memref<8x128xf32, #tpu.memory_space<vmem>>, %arg4: memref<1x128xf32, #tpu.memory_space<vmem>>, %arg5: memref<128x128xf32, #tpu.memory_space<vmem>>, %arg6: memref<200x128xf32, #tpu.memory_space<vmem>>, %arg7: memref<10000x128xf32, #tpu.memory_space<vmem>>, %arg8: memref<200x128xf32, #tpu.memory_space<vmem>>) attributes {dimension_semantics = [], scalar_prefetch = 0 : i64, scratch_operands = 0 : i64, tpu.core_type = #tpu.core_type<tc>} {
    %get3A = arith.constant 0 : index
    %get3A_0 = arith.constant 0 : index
    %get3A_1 = vector.load %arg0[%get3A, %get3A_0] : memref<10000x128xf32, #tpu.memory_space<vmem>>, vector<10000x128xf32>
    %get3A_2 = arith.constant 0 : index
    %get3A_3 = arith.constant 0 : index
    %get3A_4 = vector.load %arg2[%get3A_2, %get3A_3] : memref<128x128xf32, #tpu.memory_space<vmem>>, vector<128x128xf32>
    %dot_general3A = arith.constant dense<0.000000e+00> : vector<10000x128xf32>
    %dot_general3A_5 = tpu.matmul %get3A_1, %get3A_4, %dot_general3A {dimension_numbers = #tpu.dot_dimension_numbers<[1], [0], [0], [1], [0, 0, 1, 1], [], []>, transpose_lhs_hint = false} : vector<10000x128xf32>, vector<128x128xf32>, vector<10000x128xf32> -> vector<10000x128xf32>
    %get3A_6 = arith.constant 0 : index
    %get3A_7 = arith.constant 0 : index
    %get3A_8 = vector.load %arg1[%get3A_6, %get3A_7] : memref<10000x8xf32, #tpu.memory_space<vmem>>, vector<10000x8xf32>
    %get3A_9 = arith.constant 0 : index
    %get3A_10 = arith.constant 0 : index
    %get3A_11 = vector.load %arg3[%get3A_9, %get3A_10] : memref<8x128xf32, #tpu.memory_space<vmem>>, vector<8x128xf32>
    %dot_general3A_12 = arith.constant dense<0.000000e+00> : vector<10000x128xf32>
    %dot_general3A_13 = tpu.matmul %get3A_8, %get3A_11, %dot_general3A_12 {dimension_numbers = #tpu.dot_dimension_numbers<[1], [0], [0], [1], [0, 0, 1, 1], [], []>, transpose_lhs_hint = false} : vector<10000x8xf32>, vector<8x128xf32>, vector<10000x128xf32> -> vector<10000x128xf32>
    %add3A = arith.addf %dot_general3A_5, %dot_general3A_13 : vector<10000x128xf32>
    %get3A_14 = arith.constant 0 : index
    %get3A_15 = arith.constant 0 : index
    %get3A_16 = vector.load %arg4[%get3A_14, %get3A_15] : memref<1x128xf32, #tpu.memory_space<vmem>>, vector<1x128xf32>
    %add3A_17 = vector.broadcast %get3A_16 : vector<1x128xf32> to vector<10000x128xf32>
    %add3A_18 = arith.addf %add3A, %add3A_17 : vector<10000x128xf32>
    %get3A_19 = arith.constant 0 : index
    %get3A_20 = arith.constant 0 : index
    %get3A_21 = vector.load %arg5[%get3A_19, %get3A_20] : memref<128x128xf32, #tpu.memory_space<vmem>>, vector<128x128xf32>
    %dot_general3A_22 = arith.constant dense<0.000000e+00> : vector<10000x128xf32>
    %dot_general3A_23 = tpu.matmul %add3A_18, %get3A_21, %dot_general3A_22 {dimension_numbers = #tpu.dot_dimension_numbers<[1], [0], [0], [1], [0, 0, 1, 1], [], []>, transpose_lhs_hint = false} : vector<10000x128xf32>, vector<128x128xf32>, vector<10000x128xf32> -> vector<10000x128xf32>
    %swap3A = arith.constant 0 : index
    %swap3A_24 = arith.constant 0 : index
    %swap3A_25 = vector.load %arg7[%swap3A, %swap3A_24] : memref<10000x128xf32, #tpu.memory_space<vmem>>, vector<10000x128xf32>
    tpu.vector_store %arg7[%swap3A, %swap3A_24], %dot_general3A_23 {strides = array<i32>} : memref<10000x128xf32, #tpu.memory_space<vmem>>, vector<10000x128xf32>,
    %get3A_26 = arith.constant 0 : index
    %get3A_27 = arith.constant 0 : index
    %get3A_28 = vector.load %arg6[%get3A_26, %get3A_27] : memref<200x128xf32, #tpu.memory_space<vmem>>, vector<200x128xf32>
    %get3A_29 = arith.constant 0 : index
    %get3A_30 = arith.constant 0 : index
    %get3A_31 = vector.load %arg5[%get3A_29, %get3A_30] : memref<128x128xf32, #tpu.memory_space<vmem>>, vector<128x128xf32>
    %dot_general3A_32 = arith.constant dense<0.000000e+00> : vector<200x128xf32>
    %dot_general3A_33 = tpu.matmul %get3A_28, %get3A_31, %dot_general3A_32 {dimension_numbers = #tpu.dot_dimension_numbers<[1], [0], [0], [1], [0, 0, 1, 1], [], []>, transpose_lhs_hint = false} : vector<200x128xf32>, vector<128x128xf32>, vector<200x128xf32> -> vector<200x128xf32>
    %swap3A_34 = arith.constant 0 : index
    %swap3A_35 = arith.constant 0 : index
    %swap3A_36 = vector.load %arg8[%swap3A_34, %swap3A_35] : memref<200x128xf32, #tpu.memory_space<vmem>>, vector<200x128xf32>
    tpu.vector_store %arg8[%swap3A_34, %swap3A_35], %dot_general3A_33 {strides = array<i32>} : memref<200x128xf32, #tpu.memory_space<vmem>>, vector<200x128xf32>,
    return
  }
}

module attributes {stable_mosaic.version = 14 : i64} {
  func.func @_combine_body(%arg0: memref<2x10240x128xf32, #tpu.memory_space<vmem>>, %arg1: memref<10000x1xf32, #tpu.memory_space<vmem>>, %arg2: memref<10000x128xf32, #tpu.memory_space<vmem>>) attributes {dimension_semantics = [], scalar_prefetch = 0 : i64, scratch_operands = 0 : i64, tpu.core_type = #tpu.core_type<tc>} {
    %get3A = arith.constant 0 : index
    %get3A_0 = arith.constant 0 : index
    %get3A_1 = arith.constant 0 : index
    %get3A_2 = vector.load %arg0[%get3A, %get3A_0, %get3A_1] : memref<2x10240x128xf32, #tpu.memory_space<vmem>>, vector<1x10000x128xf32>
    %get3A_3 = vector.shape_cast %get3A_2 : vector<1x10000x128xf32> to vector<10000x128xf32>
    %get3A_4 = arith.constant 1 : index
    %get3A_5 = arith.constant 0 : index
    %get3A_6 = arith.constant 0 : index
    %get3A_7 = vector.load %arg0[%get3A_4, %get3A_5, %get3A_6] : memref<2x10240x128xf32, #tpu.memory_space<vmem>>, vector<1x10000x128xf32>
    %get3A_8 = vector.shape_cast %get3A_7 : vector<1x10000x128xf32> to vector<10000x128xf32>
    %add3A = arith.addf %get3A_3, %get3A_8 : vector<10000x128xf32>
    %get3A_9 = arith.constant 0 : index
    %get3A_10 = arith.constant 0 : index
    %get3A_11 = vector.load %arg1[%get3A_9, %get3A_10] : memref<10000x1xf32, #tpu.memory_space<vmem>>, vector<10000x1xf32>
    %mul3A = vector.broadcast %get3A_11 : vector<10000x1xf32> to vector<10000x128xf32>
    %mul3A_12 = arith.mulf %add3A, %mul3A : vector<10000x128xf32>
    %swap3A = arith.constant 0 : index
    %swap3A_13 = arith.constant 0 : index
    %swap3A_14 = vector.load %arg2[%swap3A, %swap3A_13] : memref<10000x128xf32, #tpu.memory_space<vmem>>, vector<10000x128xf32>
    tpu.vector_store %arg2[%swap3A, %swap3A_13], %mul3A_12 {strides = array<i32>} : memref<10000x128xf32, #tpu.memory_space<vmem>>, vector<10000x128xf32>,
    return
  }
}

</mosaic_0001>

<sc_bundles>
// kernel: kernel.5.cloned.1.call-start
scs
__scs_entry_jumppad:
0x0: {  	(pc) =	sbr.rel $0x88, $3  }
0x1: {  	(tag) =	ssettag $0x0;
	lr =	simm.s32 $0x1  }
0x2: {  	[smem:$0x3F98] =	sst lr;
	_ =	strace $0xD0000000  }
0x3: {  	_ = 	snop  }
0x4: {  	_ = 	snop  }
0x5: {  	_ = 	snop  }
0x6: {  	_ = 	snop  }
0x7: {  	_ = 	snop  }
__scs_overlays_trampoline_lowered:
0x8: {  	[smem:$0x3FA7] =	sst s0  }
0x9: {  	[smem:$0x3FA8] =	sst s1  }
0xa: {  	[smem:$0x3FA9] =	sst s2  }
0xb: {  	[smem:$0x3FAA] =	sst s3  }
0xc: {  	[smem:$0x3FAB] =	sst s4  }
0xd: {  	[smem:$0x3FAC] =	sst s5  }
0xe: {  	[smem:$0x3FAD] =	sst s6  }
0xf: {  	[smem:$0x3FAE] =	sst s7  }
0x10: {  	[smem:$0x3FAF] =	sst s8  }
0x11: {  	[smem:$0x3FB0] =	sst s9;
	s0 =	simm.s32 @!p0 $0x0  }
0x12: {  	s1 =	sld [smem:$0x3F96];
	s0 =	simm.s32 @p0 $0x1  }
0x13: {  	[smem:$0x3FB1] =	sst s0;
	s0 =	simm.s32 @!p1 $0x0  }
0x14: {  	s2 =	sld [smem:$0x3F95];
	s0 =	simm.s32 @p1 $0x1  }
0x15: {  	[smem:$0x3FB2] =	sst s0;
	s0 =	simm.s32 @!p2 $0x0  }
0x16: {  	s3 =	sld [smem:$0x3FDB];
	s0 =	simm.s32 @p2 $0x1  }
0x17: {  	s4 =	simm.s32 $0x1BF5;
	[smem:$0x3FB4] =	sst s0  }
0x18: {  	s0 =	sld [smem:$0x3F97];
	_ =	swait.ge [sflag:s4], $0x0  }
0x19: {  	s7 =	sld [smem:$0x3F98]  }
0x1a: {  	s8 =	sadd.s32 $0xFFFFE003, lr  }
0x1b: {  	s9 =	sadd.s32 $0xFFFFFEF7, lr;
	s5 =	simm.s32 $0xFFFFFFFF;
	p2 =	slt.u32 s8, $0xFFFFF086  }
0x1c: {  	p1 =	slt.u32 s9, $0xF7A;
	s5 =	simm.s32 @!p2 $0x0  }
0x1d: {  	s5 =	simm.s32 @p1 $0x1;
	p0 =	seq.s32 s7, s2  }
0x1e: {  	s7 =	smul.u32 @!p0 $0xF7A, s2;
	p2 =	seq.s32 @!p0 s5, $0x0  }
0x1f: {  	s9 =	smul.u32 $0xF7A, s1;
	s8 =	simm.s32 @!p0 $0x1BF5;
	p2 =	por !p2, p0  }
0x20: {  	[sflag:s8] =	ssyncset.s32 @!p0 $0xFFFFF086;
	s6 =	sadd.s32 @!p0 s3, s7;
	s7 =	simm.s32 @!p0 $0x108  }
0x21: {  	s3 =	sadd.s32 s3, s9;
	s6 =	sadd.s32 @!p0 $0x88, s6;
	s7 =	simm.s32 @p2 $0x1082  }
0x22: {  	[simem:s7], [sflag:s8] =	dma.local @!p0 [hbm:s6], $0xF7A  }
0x23: {  	s9 =	sor.u32 $0xD0000000, s2;
	s6 =	simm.s32 $0x108;
	_ =	swait.ge @!p0 [sflag:s8], $0x0  }
0x24: {  	s3 =	sadd.s32 $0x88, s3;
	s6 =	simm.s32 @!p1 $0x1082;
	[sflag:s4] =	ssyncset.s32 $0xFFFFF086  }
0x25: {  	[simem:s6], [sflag:s4] =	dma.local [hbm:s3], $0xF7A  }
0x26: {  	[smem:$0x3F98] =	sst s1;
	(tag) =	ssettag s2;
	_ =	strace s9  }
0x27: {  	s1 =	sld [smem:$0x3FA8]  }
0x28: {  	s2 =	sld [smem:$0x3FA9]  }
0x29: {  	s4 =	sld [smem:$0x3FAB]  }
0x2a: {  	p0 =	seq.s32 s5, $0x0;
	s5 =	sld [smem:$0x3FAC]  }
0x2b: {  	s6 =	sld [smem:$0x3FAD]  }
0x2c: {  	s7 =	sld [smem:$0x3FAE]  }
0x2d: {  	s3 =	simm.s32 $0x108;
	s8 =	sld [smem:$0x3FAF]  }
0x2e: {  	s3 =	simm.s32 @!p0 $0x1082;
	s9 =	sld [smem:$0x3FB0]  }
0x2f: {  	lr =	sadd.s32 s0, s3;
	s0 =	sld [smem:$0x3FA7]  }
0x30: {  	s3 =	sld [smem:$0x3FAA]  }
0x31: {  	[smem:$0x3FB3] =	sst s10  }
0x32: {  	s10 =	sld [smem:$0x3FB1];
	_ =	sdelay $0x3  }
0x33: {  	p0 =	seq.s32 s10, $0x1;
	s10 =	sld [smem:$0x3FB3];
	_ =	sdelay $0x3  }
0x34: {  	[smem:$0x3FB3] =	sst s10  }
0x35: {  	s10 =	sld [smem:$0x3FB2];
	_ =	sdelay $0x3  }
0x36: {  	p1 =	seq.s32 s10, $0x1;
	s10 =	sld [smem:$0x3FB3];
	_ =	sdelay $0x3  }
0x37: {  	[smem:$0x3FB3] =	sst s10  }
0x38: {  	s10 =	sld [smem:$0x3FB4]  }
0x39: {  	_ = 	snop;
	(pc) =	sbr.ind lr, $3  }
0x3a: {  	_ = 	snop  }
0x3b: {  	_ = 	snop  }
0x3c: {  	p2 =	seq.s32 s10, $0x1;
	s10 =	sld [smem:$0x3FB3]  }
0x3d: {  	_ =	shalt  }
0x3e: {  	_ =	shalt  }
0x3f: {  	_ =	shalt  }
0x40: {  	_ =	shalt  }
0x41: {  	_ =	shalt  }
0x42: {  	_ =	shalt  }
0x43: {  	_ =	shalt  }
0x44: {  	_ =	shalt  }
0x45: {  	_ =	shalt  }
0x46: {  	_ =	shalt  }
0x47: {  	_ =	shalt  }
0x48: {  	_ =	shalt  }
0x49: {  	_ =	shalt  }
0x4a: {  	_ =	shalt  }
0x4b: {  	_ =	shalt  }
0x4c: {  	_ =	shalt  }
0x4d: {  	_ =	shalt  }
0x4e: {  	_ =	shalt  }
0x4f: {  	_ =	shalt  }
0x50: {  	_ =	shalt  }
0x51: {  	_ =	shalt  }
0x52: {  	_ =	shalt  }
0x53: {  	_ =	shalt  }
0x54: {  	_ =	shalt  }
0x55: {  	_ =	shalt  }
0x56: {  	_ =	shalt  }
0x57: {  	_ =	shalt  }
0x58: {  	_ =	shalt  }
0x59: {  	_ =	shalt  }
0x5a: {  	_ =	shalt  }
0x5b: {  	_ =	shalt  }
0x5c: {  	_ =	shalt  }
0x5d: {  	_ =	shalt  }
0x5e: {  	_ =	shalt  }
0x5f: {  	_ =	shalt  }
0x60: {  	_ =	shalt  }
0x61: {  	_ =	shalt  }
0x62: {  	_ =	shalt  }
0x63: {  	_ =	shalt  }
0x64: {  	_ =	shalt  }
0x65: {  	_ =	shalt  }
0x66: {  	_ =	shalt  }
0x67: {  	_ =	shalt  }
0x68: {  	_ =	shalt  }
0x69: {  	_ =	shalt  }
0x6a: {  	_ =	shalt  }
0x6b: {  	_ =	shalt  }
0x6c: {  	_ =	shalt  }
0x6d: {  	_ =	shalt  }
0x6e: {  	_ =	shalt  }
0x6f: {  	_ =	shalt  }
0x70: {  	_ =	shalt  }
0x71: {  	_ =	shalt  }
0x72: {  	_ =	shalt  }
0x73: {  	_ =	shalt  }
0x74: {  	_ =	shalt  }
0x75: {  	_ =	shalt  }
0x76: {  	_ =	shalt  }
0x77: {  	_ =	shalt  }
0x78: {  	_ =	shalt  }
0x79: {  	_ =	shalt  }
0x7a: {  	_ =	shalt  }
0x7b: {  	_ =	shalt  }
0x7c: {  	_ =	shalt  }
0x7d: {  	_ =	shalt  }
0x7e: {  	_ =	shalt  }
0x7f: {  	_ =	shalt  }
0x80: {  	_ =	shalt  }
0x81: {  	_ =	shalt  }
0x82: {  	_ =	shalt  }
0x83: {  	_ =	shalt  }
0x84: {  	_ =	shalt  }
0x85: {  	_ =	shalt  }
0x86: {  	_ =	shalt  }
0x87: {  	_ =	shalt  }
.Lfunc_end0:
.L_simem_size_0:
called_computation_lowered:
.L_overlay_start_0:
0x88: {  	s2 =	sld [smem:$0x3FD9]  }
0x89: {  	s3 =	sld [smem:$0x3FFE];
	_ =	sdelay $0x1  }
0x8a: {  	s1 =	srdreg.scid  }
0x8b: {  	s0 =	sand.u32 $0x1, s1  }
0x8c: {  	s14 =	sshll.u32 s0, $0xA;
	s2 =	sadd.s32 s3, s2  }
0x8d: {  	s2 =	sadd.s32 s2, s14  }
0x8e: {  	[smem:$0x3FBF] =	sst s2  }
0x8f: {  	_ = 	snop  }
0x90: {  	s2 =	sld [smem:$0x3FD0];
	_ =	sdelay $0x2  }
0x91: {  	s4 =	simm.s32 $0xA;
	s5 =	simm.s32 $0x10;
	s15 =	sld [smem:$0x3FC1]  }
0x92: {  	[smem:s5], [sflag:s4] =	dma.local [hbm:s2], $0x1  }
0x93: {  	_ =	swait.eq [sflag:s4], $0x1  }
0x94: {  	[sflag:s4] =	ssyncset.done $0x0  }
0x95: {  	s16 =	sld [smem:$0x10];
	[sflag:s4] =	ssyncadd.s32 $0xFFFFFFFF  }
0x96: {  	s17 =	sld [smem:$0x11];
	(tm) =	ssettm $0x1  }
0x97: {  	s18 =	sld [smem:$0x3FFB];
	_ =	sdelay $0x3  }
0x98: {  	_ =	strace s18  }
0x99: {  	s5 =	sld [smem:$0x3FFC];
	_ =	sdelay $0x3  }
0x9a: {  	_ =	strace s5  }
0x9b: {  	s5 =	sld [smem:$0x3FFD];
	_ =	sdelay $0x3  }
0x9c: {  	_ =	strace s5  }
0x9d: {  	_ =	strace $0x8FFFFFFF  }
0x9e: {  	s19 =	sld [smem:$0x3FDB];
	_ =	sdelay $0x1  }
0x9f: {  	s6 =	simm.s32 $_scs_section_size  }
0xa0: {  	s7 =	simm.s32 $_size__tile_overlayer_lowered;
	s8 =	simm.s32 $_tile_overlayer_lowered  }
0xa1: {  	s22 =	simm.s32 $0x1BFF;
	s21 =	sshll.u32 s8, $0x1;
	s5 =	sadd.s32 s6, s19  }
0xa2: {  	s9 =	simm.s32 $0x0;
	s20 =	sshll.u32 s7, $0x1;
	s7 =	sadd.s32 s21, s5  }
0xa3: {  	[timem:s9], [sflag:s22] =	dma.local [hbm:s7], s20  }
0xa4: {  	_ =	swait.ge [sflag:s22], s20  }
0xa5: {  	s6 =	ssub.s32 $0x0, s20;
	[sflag:s22] =	ssyncset.done $0x0  }
0xa6: {  	[sflag:s22] =	ssyncadd.s32 s6;
	_ =	sdelay $0x1  }
0xa7: {  	s23 =	simm.s32 $0x1B8B  }
0xa8: {  	_ =	swait.ge [sflag:s23], $0x1  }
0xa9: {  	[sflag:s23] =	ssyncset.done $0x0  }
0xaa: {  	s25 =	simm.s32 $0x1B8E;
	s24 =	sld [smem:$0x3FFE];
	[sflag:s23] =	ssyncadd.s32 $0xFFFFFFFF  }
0xab: {  	s26 =	simm.s32 $execute0_lowered;
	[smem:$0x3FD2] =	sst s25  }
0xac: {  	s7 =	sshll.u32 s26, $0x1;
	_ =	strace $0x80000046;
	[dreg:$0x1] =	wrdreg $0xFFFFFFFF  }
0xad: {  	s28 =	simm.s32 $_size_execute0_lowered;
	s5 =	sadd.s32 s5, s7;
	[dreg:$0x0] =	wrdreg $0x0  }
0xae: {  	s7 =	sshll.u32 s28, $0x1;
	[dreg:$0x2] =	wrdreg s5  }
0xaf: {  	[dreg:$0x3] =	wrdreg s7  }
0xb0: {  	[dreg:$0x4] =	wrdreg $0xC0  }
0xb1: {  	_ =	task [dreg:s9], $0x5FFFF  }
0xb2: {  	[dreg:$0x1] =	wrdreg $0xFFFFFFFF  }
0xb3: {  	[dreg:$0x0] =	wrdreg $0x60  }
0xb4: {  	[dreg:$0x2] =	wrdreg s16  }
0xb5: {  	[dreg:$0x3] =	wrdreg s17  }
0xb6: {  	[dreg:$0x4] =	wrdreg s24  }
0xb7: {  	[dreg:$0x5] =	wrdreg s15  }
0xb8: {  	[dreg:$0x6] =	wrdreg $0xA3000  }
0xb9: {  	[dreg:$0x7] =	wrdreg $0x9  }
0xba: {  	_ =	task.clear_ibuf [dreg:s9], $0x8FFFF;
	_ =	strace $0x90000046  }
0xbb: {  	s29 =	simm.s32 $0x9;
	_ =	strace $0x80000048  }
0xbc: {  	_ =	swait.ge [sflag:s29], $0x1  }
0xbd: {  	[sflag:s29] =	ssyncadd.s32 $0xFFFFFFFF  }
0xbe: {  	_ =	strace $0x90000048  }
0xbf: {  	_ =	sfence  }
0xc0: {  	s30 =	sld [smem:$0x0];
	_ =	sdelay $0x2  }
0xc1: {  	s31 =	sshll.u32 s1, $0xD;
	s1 =	sshrl.u32 s1, $0x2  }
0xc2: {  	s3 =	sand.u32 $0x4000, s31;
	s1 =	sadd.s32 s1, s30  }
0xc3: {  	s0 =	sor.u32 s3, s0;
	s1 =	sshll.u32 s1, $0x11  }
0xc4: {  	s0 =	sor.u32 s1, s0  }
0xc5: {  	s0 =	sadd.s32 $0x8F2B, s0  }
0xc6: {  	[sflag:s0] =	ssyncadd.remote.s32 $0x1  }
0xc7: {  	_ =	sfence.sel $0xFFFF  }
0xc8: {  	[dreg:$0x0] =	wrdreg $0xFFFFFFFF;
	(pc) =	sbr.abs _section_cstart, $3  }
0xc9: {  	[dreg:$0x1] =	wrdreg $0xFFFFFFFF  }
0xca: {  	_ =	task.clear_ibuf [dreg:s9], $0x2FFFF;
	_ =	strace $0x9FFFFFFF  }
0xcb: {  	(tm) =	ssettm $0x7FFFFFFF  }
tec
execute0_lowered:
.L_overlay_start_1:
0x0: {  	(tag) =	ssettag $0x1  }
0x1: {  	s1 =	rddreg [dreg:$0x0]  }
0x2: {  	s2 =	rddreg [dreg:$0x1]  }
0x3: {  	s0 =	rddreg [dreg:$0x2]  }
0x4: {  	s4 =	rddreg [dreg:$0x3]  }
0x5: {  	s5 =	rddreg [dreg:$0x4]  }
0x6: {  	s14 =	stileid.u32;
	s3 =	srdreg.scid  }
0x7: {  	s6 =	simm.s32 $0x0;
	s28 =	simm.s32 $0x80;
	s29 =	simm.s32 $0x180  }
0x8: {  	s8 =	smul.u32 $0x14000, s14;
	s3 =	sand.u32 $0x1, s3;
	[smem:$0x7FF] =	sst s6  }
0x9: {  	s7 =	sadd.s32 $0xB400, s0;
	s12 =	smul.u32 $0x50000, s14;
	s13 =	sshll.u32 s14, $0x1  }
0xa: {  	s9 =	smul.u32 $0x140000, s3;
	_ =	strace $0x80000047;
	s11 =	ssub.s32 $0x2, s3  }
0xb: {  	s13 =	sor.u32 s3, s13;
	s10 =	sshrl.u32 s8, $0x3;
	s20 =	sshrl.u32 s11, $0x1  }
0xc: {  	s21 =	sshrl.u32 s12, $0x2;
	s22 =	smul.u32 $0x2710, s13;
	s9 =	sadd.s32 s8, s9  }
0xd: {  	s8 =	sadd.s32 $0x1600, s0;
	s10 =	sadd.s32 s10, s0;
	s9 =	sshrl.u32 s9, $0x3  }
0xe: {  	s10 =	sadd.s32 $0x15200, s10;
	s12 =	sshrl.u32 s22, $0x3;
	s0 =	sadd.s32 s9, s0  }
0xf: {  	s9 =	ssub.s32 s11, s20;
	s11 =	sadd.s32 s21, s5;
	[dreg:$0xa] =	wrdreg s10  }
0x10: {  	s30 =	simm.s32 $0x280;
	s25 =	sadd.s32 s7, s12;
	[dreg:$0x9] =	wrdreg s11  }
0x11: {  	s23 =	smul.u32 $0x4E20, s14;
	s26 =	sadd.s32 s8, s12;
	[dreg:$0xc] =	wrdreg s25  }
0x12: {  	s24 =	sshll.u32 s14, $0x6;
	s13 =	sadd.s32 s4, s12;
	[dreg:$0xd] =	wrdreg s26  }
0x13: {  	s20 =	sor.u32 $0x1C07, s24;
	s14 =	sadd.s32 $0xA, s12;
	[dreg:$0xe] =	wrdreg s13  }
0x14: {  	s31 =	simm.s32 $0x1;
	s15 =	sadd.s32 s7, s14;
	[dreg:$0xb] =	wrdreg s20  }
0x15: {  	s3 =	smul.u32 $0x2710, s3;
	s16 =	sadd.s32 s8, s14;
	[dreg:$0xf] =	wrdreg s15  }
0x16: {  	s12 =	sadd.s32 $0x4D8, s12;
	s18 =	sadd.s32 s4, s14;
	[dreg:$0x10] =	wrdreg s16  }
0x17: {  	s3 =	sadd.s32 s3, s23;
	s19 =	sadd.s32 s7, s12;
	[dreg:$0x11] =	wrdreg s18  }
0x18: {  	s17 =	sadd.s32 $0xF0, s3;
	s21 =	sadd.s32 s8, s12;
	[dreg:$0x12] =	wrdreg s19  }
0x19: {  	s10 =	sshrl.u32 s17, $0x3;
	s23 =	sadd.s32 s4, s12;
	[dreg:$0x13] =	wrdreg s21  }
0x1a: {  	s17 =	simm.s32 $0x6;
	s22 =	sadd.s32 s10, s4;
	[dreg:$0x14] =	wrdreg s23  }
0x1b: {  	s24 =	sadd.s32 s10, s8;
	s0 =	sadd.s32 $0x3D200, s0;
	[dreg:$0x6] =	wrdreg s22  }
0x1c: {  	s25 =	sadd.s32 s10, s7;
	s9 =	smax.u32 s9, $0x1;
	[dreg:$0x15] =	wrdreg s0  }
0x1d: {  	s26 =	sadd.s32 $0xA0, s3;
	s3 =	simm.s32 $0x300;
	[dreg:$0x7] =	wrdreg s24  }
0x1e: {  	s10 =	simm.s32 $0x2;
	s12 =	simm.s32 $0x2B00;
	[dreg:$0x16] =	wrdreg s9  }
0x1f: {  	s13 =	simm.s32 $0x7B00;
	s14 =	simm.s32 $0x3;
	[dreg:$0x8] =	wrdreg s25  }
0x20: {  	[dreg:$0x17] =	wrdreg s26;
	s21 =	simm.s32 $0x7;
	s25 =	simm.s32 $0x100  }
0x21: {  	s26 =	simm.s32 $0x200;
	s0 =	simm.s32 $0x50;
	s9 =	simm.s32 $0x5300  }
0x22: {  	s15 =	simm.s32 $0x5;
	s16 =	simm.s32 $0x4;
	s18 =	simm.s32 $0x0  }
.LBB2_1:
0x23: {  	s11 =	rddreg [dreg:$0x9]  }
0x24: {  	s24 =	rddreg [dreg:$0xa];
	s19 =	sshrl.u32 s11, $0x3  }
0x25: {  	[spmem:s19], [sflag:s20] =	dma.local [hbm:s24], $0x2800  }
0x26: {  	_ =	swait.ge [sflag:s21], $0x2800  }
0x27: {  	[sflag:s21] =	ssyncset.done $0x0  }
0x28: {  	[sflag:s21] =	ssyncadd.s32 $0xFFFFD800  }
0x29: {  	[bflag:$0x0] =	sbarrier.arrive $0xFFFF  }
0x2a: {  	s21 =	rddreg [dreg:$0xc]  }
0x2b: {  	[tilespmem:s6], [sflag:$0x1] =	stream.linear.gather [hbm4b:s21+s6], $0x50, $0x38;
	[tilespmem:$0x1E300] =	vst v63  }
0x2c: {  	s22 =	rddreg [dreg:$0xd]  }
0x2d: {  	[tilespmem:s25], [sflag:$0x1] =	stream.linear.gather [hbm4b:s22+s6], $0x50, $0x38;
	[tilespmem:$0x1E300] =	vst v63  }
0x2e: {  	s23 =	rddreg [dreg:$0xe]  }
0x2f: {  	[tilespmem:s26], [sflag:$0x1] =	stream.linear.gather [hbm4b:s23+s6], $0x50, $0x38;
	[tilespmem:$0x1E300] =	vst v63  }
0x30: {  	s24 =	rddreg [dreg:$0xf]  }
0x31: {  	[tilespmem:s28], [sflag:$0x2] =	stream.linear.gather [hbm4b:s24+s6], $0x50, $0x38;
	[tilespmem:$0x1E300] =	vst v63  }
0x32: {  	s20 =	rddreg [dreg:$0x10]  }
0x33: {  	[tilespmem:s29], [sflag:$0x2] =	stream.linear.gather [hbm4b:s20+s6], $0x50, $0x38;
	[tilespmem:$0x1E300] =	vst v63  }
0x34: {  	s21 =	rddreg [dreg:$0x11]  }
0x35: {  	[tilespmem:s30], [sflag:$0x2] =	stream.linear.gather [hbm4b:s21+s6], $0x50, $0x38;
	[tilespmem:$0x1E300] =	vst v63  }
0x36: {  	_ =	swait.ge [sflag:s31], $0x50  }
0x37: {  	[sflag:s31] =	ssyncset.done $0x0  }
0x38: {  	[sflag:s31] =	ssyncadd.s32 $0xFFFFFFB0  }
0x39: {  	_ =	swait.ge [sflag:s31], $0x50  }
0x3a: {  	[sflag:s31] =	ssyncset.done $0x0  }
0x3b: {  	[sflag:s31] =	ssyncadd.s32 $0xFFFFFFB0  }
0x3c: {  	_ =	swait.ge [sflag:s31], $0x50  }
0x3d: {  	[sflag:s31] =	ssyncset.done $0x0  }
0x3e: {  	[sflag:s31] =	ssyncadd.s32 $0xFFFFFFB0  }
0x3f: {  	[tilespmem:s3], [sflag:$0x3] =	stream.indirect.gather [hbm4b:s1+s0], $0x80, s6, s0, $0xb8;
	[tilespmem:$0x1E300] =	vst v63  }
0x40: {  	_ = 	snop  }
0x41: {  	[tilespmem:s9], [sflag:$0x3] =	stream.indirect.gather [hbm4b:s2+s0], $0x80, s26, s0, $0xb8;
	[tilespmem:$0x1E300] =	vst v63  }
0x42: {  	_ =	swait.ge [sflag:s10], $0x50  }
0x43: {  	[sflag:s10] =	ssyncset.done $0x0  }
0x44: {  	[sflag:s10] =	ssyncadd.s32 $0xFFFFFFB0  }
0x45: {  	_ =	swait.ge [sflag:s10], $0x50  }
0x46: {  	[sflag:s10] =	ssyncset.done $0x0  }
0x47: {  	[sflag:s10] =	ssyncadd.s32 $0xFFFFFFB0  }
0x48: {  	_ =	swait.ge [sflag:s10], $0x50  }
0x49: {  	[sflag:s10] =	ssyncset.done $0x0  }
0x4a: {  	[sflag:s10] =	ssyncadd.s32 $0xFFFFFFB0  }
0x4b: {  	[tilespmem:s12], [sflag:$0x4] =	stream.indirect.gather [hbm4b:s1+s0], $0x80, s28, s0, $0xb8;
	[tilespmem:$0x1E300] =	vst v63  }
0x4c: {  	_ = 	snop  }
0x4d: {  	[tilespmem:s13], [sflag:$0x4] =	stream.indirect.gather [hbm4b:s2+s0], $0x80, s30, s0, $0xb8;
	[tilespmem:$0x1E300] =	vst v63  }
0x4e: {  	_ =	swait.ge [sflag:s14], $0x2800  }
0x4f: {  	[sflag:s14] =	ssyncset.done $0x0  }
0x50: {  	[sflag:s14] =	ssyncadd.s32 $0xFFFFD800  }
0x51: {  	_ =	swait.ge [sflag:s14], $0x2800  }
0x52: {  	[sflag:s14] =	ssyncset.done $0x0  }
0x53: {  	[sflag:s14] =	ssyncadd.s32 $0xFFFFD800  }
0x54: {  	[spmem:s5] =	stream.indirect.scatter.add.f32 [tilespmem:s3], [sflag:$0x5], $0x80, s25, s0, $0xb8;
	[tilespmem:$0x1E300] =	vst v63  }
0x55: {  	_ = 	snop  }
0x56: {  	[spmem:s5] =	stream.indirect.scatter.add.f32 [tilespmem:s9], [sflag:$0x5], $0x80, s25, s0, $0xb8;
	[tilespmem:$0x1E300] =	vst v63  }
0x57: {  	_ =	swait.ge [sflag:s15], $0x2800  }
0x58: {  	[sflag:s15] =	ssyncset.done $0x0  }
0x59: {  	[sflag:s15] =	ssyncadd.s32 $0xFFFFD800  }
0x5a: {  	_ =	swait.ge [sflag:s15], $0x2800  }
0x5b: {  	s11 =	rddreg [dreg:$0x17]  }
0x5c: {  	[sflag:s15] =	ssyncset.done $0x0;
	s22 =	sshrl.u32 s11, $0x3  }
0x5d: {  	[sflag:s15] =	ssyncadd.s32 $0xFFFFD800;
	s23 =	sadd.s32 s7, s22  }
0x5e: {  	[tilespmem:s6], [sflag:$0x1] =	stream.linear.gather [hbm4b:s23+s6], $0x50, $0x38;
	[tilespmem:$0x1E300] =	vst v63  }
0x5f: {  	s24 =	sadd.s32 s8, s22  }
0x60: {  	[tilespmem:s25], [sflag:$0x1] =	stream.linear.gather [hbm4b:s24+s6], $0x50, $0x38;
	[tilespmem:$0x1E300] =	vst v63  }
0x61: {  	s20 =	sadd.s32 s4, s22  }
0x62: {  	[tilespmem:s26], [sflag:$0x1] =	stream.linear.gather [hbm4b:s20+s6], $0x50, $0x38;
	[tilespmem:$0x1E300] =	vst v63  }
0x63: {  	_ =	swait.ge [sflag:s31], $0x50  }
0x64: {  	[sflag:s31] =	ssyncset.done $0x0  }
0x65: {  	[sflag:s31] =	ssyncadd.s32 $0xFFFFFFB0  }
0x66: {  	_ =	swait.ge [sflag:s31], $0x50  }
0x67: {  	[sflag:s31] =	ssyncset.done $0x0  }
0x68: {  	[sflag:s31] =	ssyncadd.s32 $0xFFFFFFB0  }
0x69: {  	_ =	swait.ge [sflag:s31], $0x50  }
0x6a: {  	[sflag:s31] =	ssyncset.done $0x0  }
0x6b: {  	[sflag:s31] =	ssyncadd.s32 $0xFFFFFFB0  }
0x6c: {  	[tilespmem:s3], [sflag:$0x3] =	stream.indirect.gather [hbm4b:s1+s0], $0x80, s6, s0, $0xb8;
	[tilespmem:$0x1E300] =	vst v63  }
0x6d: {  	_ = 	snop  }
0x6e: {  	[tilespmem:s9], [sflag:$0x3] =	stream.indirect.gather [hbm4b:s2+s0], $0x80, s26, s0, $0xb8;
	[tilespmem:$0x1E300] =	vst v63  }
0x6f: {  	_ =	swait.ge [sflag:s16], $0x2800  }
0x70: {  	[sflag:s16] =	ssyncset.done $0x0  }
0x71: {  	[sflag:s16] =	ssyncadd.s32 $0xFFFFD800  }
0x72: {  	_ =	swait.ge [sflag:s16], $0x2800  }
0x73: {  	[sflag:s16] =	ssyncset.done $0x0  }
0x74: {  	[sflag:s16] =	ssyncadd.s32 $0xFFFFD800  }
0x75: {  	[spmem:s5] =	stream.indirect.scatter.add.f32 [tilespmem:s12], [sflag:$0x6], $0x80, s29, s0, $0xb8;
	[tilespmem:$0x1E300] =	vst v63  }
0x76: {  	_ = 	snop  }
0x77: {  	[spmem:s5] =	stream.indirect.scatter.add.f32 [tilespmem:s13], [sflag:$0x6], $0x80, s29, s0, $0xb8;
	[tilespmem:$0x1E300] =	vst v63  }
0x78: {  	_ =	swait.ge [sflag:s17], $0x2800  }
0x79: {  	[sflag:s17] =	ssyncset.done $0x0  }
0x7a: {  	[sflag:s17] =	ssyncadd.s32 $0xFFFFD800  }
0x7b: {  	_ =	swait.ge [sflag:s17], $0x2800  }
0x7c: {  	s22 =	rddreg [dreg:$0x8];
	[sflag:s17] =	ssyncset.done $0x0  }
0x7d: {  	s23 =	rddreg [dreg:$0x7];
	[sflag:s17] =	ssyncadd.s32 $0xFFFFD800;
	s20 =	sadd.s32 $0x0, s22  }
0x7e: {  	[tilespmem:s28], [sflag:$0x2] =	stream.linear.gather [hbm4b:s20+s6], $0x50, $0x38;
	[tilespmem:$0x1E300] =	vst v63  }
0x7f: {  	s24 =	rddreg [dreg:$0x6];
	s21 =	sadd.s32 $0x0, s23  }
0x80: {  	[tilespmem:s29], [sflag:$0x2] =	stream.linear.gather [hbm4b:s21+s6], $0x50, $0x38;
	[tilespmem:$0x1E300] =	vst v63  }
0x81: {  	s20 =	sadd.s32 $0x0, s24  }
0x82: {  	[tilespmem:s30], [sflag:$0x2] =	stream.linear.gather [hbm4b:s20+s6], $0x50, $0x38;
	[tilespmem:$0x1E300] =	vst v63  }
0x83: {  	_ =	swait.ge [sflag:s10], $0x50  }
0x84: {  	[sflag:s10] =	ssyncset.done $0x0  }
0x85: {  	[sflag:s10] =	ssyncadd.s32 $0xFFFFFFB0  }
0x86: {  	_ =	swait.ge [sflag:s10], $0x50  }
0x87: {  	[sflag:s10] =	ssyncset.done $0x0  }
0x88: {  	[sflag:s10] =	ssyncadd.s32 $0xFFFFFFB0  }
0x89: {  	_ =	swait.ge [sflag:s10], $0x50  }
0x8a: {  	[sflag:s10] =	ssyncset.done $0x0  }
0x8b: {  	s21 =	sadd.s32 $0xA0, s11;
	s20 =	simm.s32 $0x14;
	[sflag:s10] =	ssyncadd.s32 $0xFFFFFFB0  }
0x8c: {  	[tilespmem:s12], [sflag:$0x4] =	stream.indirect.gather [hbm4b:s1+s0], $0x80, s28, s0, $0xb8;
	[tilespmem:$0x1E300] =	vst v63  }
.LBB2_2:
0x8d: {  	[tilespmem:s13], [sflag:$0x4] =	stream.indirect.gather [hbm4b:s2+s0], $0x80, s30, s0, $0xb8;
	[tilespmem:$0x1E300] =	vst v63  }
0x8e: {  	_ =	swait.ge [sflag:s14], $0x2800  }
0x8f: {  	[sflag:s14] =	ssyncset.done $0x0  }
0x90: {  	[sflag:s14] =	ssyncadd.s32 $0xFFFFD800  }
0x91: {  	_ =	swait.ge [sflag:s14], $0x2800  }
0x92: {  	[sflag:s14] =	ssyncset.done $0x0  }
0x93: {  	[sflag:s14] =	ssyncadd.s32 $0xFFFFD800  }
0x94: {  	[spmem:s5] =	stream.indirect.scatter.add.f32 [tilespmem:s3], [sflag:$0x5], $0x80, s25, s0, $0xb8;
	[tilespmem:$0x1E300] =	vst v63  }
0x95: {  	_ = 	snop  }
0x96: {  	[spmem:s5] =	stream.indirect.scatter.add.f32 [tilespmem:s9], [sflag:$0x5], $0x80, s25, s0, $0xb8;
	[tilespmem:$0x1E300] =	vst v63  }
0x97: {  	_ =	swait.ge [sflag:s15], $0x2800  }
0x98: {  	[sflag:s15] =	ssyncset.done $0x0  }
0x99: {  	[sflag:s15] =	ssyncadd.s32 $0xFFFFD800  }
0x9a: {  	_ =	swait.ge [sflag:s15], $0x2800  }
0x9b: {  	s11 =	sshrl.u32 s21, $0x3;
	[sflag:s15] =	ssyncset.done $0x0  }
0x9c: {  	s23 =	sadd.s32 s7, s11;
	[sflag:s15] =	ssyncadd.s32 $0xFFFFD800  }
0x9d: {  	[tilespmem:s6], [sflag:$0x1] =	stream.linear.gather [hbm4b:s23+s6], $0x50, $0x38;
	[tilespmem:$0x1E300] =	vst v63  }
0x9e: {  	s24 =	sadd.s32 s8, s11  }
0x9f: {  	[tilespmem:s25], [sflag:$0x1] =	stream.linear.gather [hbm4b:s24+s6], $0x50, $0x38;
	[tilespmem:$0x1E300] =	vst v63  }
0xa0: {  	s11 =	sadd.s32 s4, s11  }
0xa1: {  	[tilespmem:s26], [sflag:$0x1] =	stream.linear.gather [hbm4b:s11+s6], $0x50, $0x38;
	[tilespmem:$0x1E300] =	vst v63  }
0xa2: {  	_ =	swait.ge [sflag:s31], $0x50  }
0xa3: {  	[sflag:s31] =	ssyncset.done $0x0  }
0xa4: {  	[sflag:s31] =	ssyncadd.s32 $0xFFFFFFB0  }
0xa5: {  	_ =	swait.ge [sflag:s31], $0x50  }
0xa6: {  	[sflag:s31] =	ssyncset.done $0x0  }
0xa7: {  	[sflag:s31] =	ssyncadd.s32 $0xFFFFFFB0  }
0xa8: {  	_ =	swait.ge [sflag:s31], $0x50  }
0xa9: {  	[sflag:s31] =	ssyncset.done $0x0  }
0xaa: {  	[sflag:s31] =	ssyncadd.s32 $0xFFFFFFB0  }
0xab: {  	[tilespmem:s3], [sflag:$0x3] =	stream.indirect.gather [hbm4b:s1+s0], $0x80, s6, s0, $0xb8;
	[tilespmem:$0x1E300] =	vst v63  }
0xac: {  	_ = 	snop  }
0xad: {  	[tilespmem:s9], [sflag:$0x3] =	stream.indirect.gather [hbm4b:s2+s0], $0x80, s26, s0, $0xb8;
	[tilespmem:$0x1E300] =	vst v63  }
0xae: {  	_ =	swait.ge [sflag:s16], $0x2800  }
0xaf: {  	[sflag:s16] =	ssyncset.done $0x0  }
0xb0: {  	[sflag:s16] =	ssyncadd.s32 $0xFFFFD800  }
0xb1: {  	_ =	swait.ge [sflag:s16], $0x2800  }
0xb2: {  	[sflag:s16] =	ssyncset.done $0x0  }
0xb3: {  	[sflag:s16] =	ssyncadd.s32 $0xFFFFD800  }
0xb4: {  	[spmem:s5] =	stream.indirect.scatter.add.f32 [tilespmem:s12], [sflag:$0x6], $0x80, s29, s0, $0xb8;
	[tilespmem:$0x1E300] =	vst v63  }
0xb5: {  	_ = 	snop  }
0xb6: {  	[spmem:s5] =	stream.indirect.scatter.add.f32 [tilespmem:s13], [sflag:$0x6], $0x80, s29, s0, $0xb8;
	[tilespmem:$0x1E300] =	vst v63  }
0xb7: {  	_ =	swait.ge [sflag:s17], $0x2800  }
0xb8: {  	[sflag:s17] =	ssyncset.done $0x0  }
0xb9: {  	[sflag:s17] =	ssyncadd.s32 $0xFFFFD800  }
0xba: {  	_ =	swait.ge [sflag:s17], $0x2800  }
0xbb: {  	s22 =	smov.u32 s20;
	s24 =	rddreg [dreg:$0x8];
	[sflag:s17] =	ssyncset.done $0x0  }
0xbc: {  	s23 =	rddreg [dreg:$0x7];
	[sflag:s17] =	ssyncadd.s32 $0xFFFFD800;
	s11 =	sadd.s32 s22, s24  }
0xbd: {  	[tilespmem:s28], [sflag:$0x2] =	stream.linear.gather [hbm4b:s11+s6], $0x50, $0x38;
	[tilespmem:$0x1E300] =	vst v63  }
0xbe: {  	s24 =	rddreg [dreg:$0x6];
	s23 =	sadd.s32 s22, s23  }
0xbf: {  	[tilespmem:s29], [sflag:$0x2] =	stream.linear.gather [hbm4b:s23+s6], $0x50, $0x38;
	[tilespmem:$0x1E300] =	vst v63  }
0xc0: {  	s24 =	sadd.s32 s22, s24  }
0xc1: {  	[tilespmem:s30], [sflag:$0x2] =	stream.linear.gather [hbm4b:s24+s6], $0x50, $0x38;
	[tilespmem:$0x1E300] =	vst v63  }
0xc2: {  	_ =	swait.ge [sflag:s10], $0x50  }
0xc3: {  	[sflag:s10] =	ssyncset.done $0x0  }
0xc4: {  	[sflag:s10] =	ssyncadd.s32 $0xFFFFFFB0  }
0xc5: {  	_ =	swait.ge [sflag:s10], $0x50  }
0xc6: {  	p0 =	sne.s32 s20, $0x4B0;
	[sflag:s10] =	ssyncset.done $0x0  }
.Ltmp0:
0xc7: {  	[sflag:s10] =	ssyncadd.s32 $0xFFFFFFB0;
	(pc) =	sbr.rel @p0 .LBB2_2-.Ltmp0, $4  }
0xc8: {  	_ =	swait.ge [sflag:s10], $0x50  }
0xc9: {  	[sflag:s10] =	ssyncset.done $0x0  }
0xca: {  	s20 =	sadd.s32 $0x14, s20;
	s21 =	sadd.s32 $0xA0, s21;
	[sflag:s10] =	ssyncadd.s32 $0xFFFFFFB0  }
0xcb: {  	[tilespmem:s12], [sflag:$0x4] =	stream.indirect.gather [hbm4b:s1+s0], $0x80, s28, s0, $0xb8;
	[tilespmem:$0x1E300] =	vst v63  }
0xcc: {  	[tilespmem:s13], [sflag:$0x4] =	stream.indirect.gather [hbm4b:s2+s0], $0x80, s30, s0, $0xb8;
	[tilespmem:$0x1E300] =	vst v63  }
0xcd: {  	_ =	swait.ge [sflag:s14], $0x2800  }
0xce: {  	[sflag:s14] =	ssyncset.done $0x0  }
0xcf: {  	[sflag:s14] =	ssyncadd.s32 $0xFFFFD800  }
0xd0: {  	_ =	swait.ge [sflag:s14], $0x2800  }
0xd1: {  	[sflag:s14] =	ssyncset.done $0x0  }
0xd2: {  	[sflag:s14] =	ssyncadd.s32 $0xFFFFD800  }
0xd3: {  	[spmem:s5] =	stream.indirect.scatter.add.f32 [tilespmem:s3], [sflag:$0x5], $0x80, s25, s0, $0xb8;
	[tilespmem:$0x1E300] =	vst v63  }
0xd4: {  	_ = 	snop  }
0xd5: {  	[spmem:s5] =	stream.indirect.scatter.add.f32 [tilespmem:s9], [sflag:$0x5], $0x80, s25, s0, $0xb8;
	[tilespmem:$0x1E300] =	vst v63  }
0xd6: {  	_ =	swait.ge [sflag:s15], $0x2800  }
0xd7: {  	[sflag:s15] =	ssyncset.done $0x0  }
0xd8: {  	[sflag:s15] =	ssyncadd.s32 $0xFFFFD800  }
0xd9: {  	_ =	swait.ge [sflag:s15], $0x2800  }
0xda: {  	[sflag:s15] =	ssyncset.done $0x0  }
0xdb: {  	s11 =	rddreg [dreg:$0x12];
	[sflag:s15] =	ssyncadd.s32 $0xFFFFD800  }
0xdc: {  	[tilespmem:s6], [sflag:$0x1] =	stream.linear.gather [hbm4b:s11+s6], $0x50, $0x38;
	[tilespmem:$0x1E300] =	vst v63  }
0xdd: {  	s21 =	rddreg [dreg:$0x13]  }
0xde: {  	[tilespmem:s25], [sflag:$0x1] =	stream.linear.gather [hbm4b:s21+s6], $0x50, $0x38;
	[tilespmem:$0x1E300] =	vst v63  }
0xdf: {  	s22 =	rddreg [dreg:$0x14]  }
0xe0: {  	[tilespmem:s26], [sflag:$0x1] =	stream.linear.gather [hbm4b:s22+s6], $0x50, $0x38;
	[tilespmem:$0x1E300] =	vst v63  }
0xe1: {  	_ =	swait.ge [sflag:s31], $0x50  }
0xe2: {  	[sflag:s31] =	ssyncset.done $0x0  }
0xe3: {  	[sflag:s31] =	ssyncadd.s32 $0xFFFFFFB0  }
0xe4: {  	_ =	swait.ge [sflag:s31], $0x50  }
0xe5: {  	[sflag:s31] =	ssyncset.done $0x0  }
0xe6: {  	[sflag:s31] =	ssyncadd.s32 $0xFFFFFFB0  }
0xe7: {  	_ =	swait.ge [sflag:s31], $0x50  }
0xe8: {  	[sflag:s31] =	ssyncset.done $0x0  }
0xe9: {  	[sflag:s31] =	ssyncadd.s32 $0xFFFFFFB0  }
0xea: {  	[tilespmem:s3], [sflag:$0x3] =	stream.indirect.gather [hbm4b:s1+s0], $0x80, s6, s0, $0xb8;
	[tilespmem:$0x1E300] =	vst v63  }
0xeb: {  	_ = 	snop  }
0xec: {  	[tilespmem:s9], [sflag:$0x3] =	stream.indirect.gather [hbm4b:s2+s0], $0x80, s26, s0, $0xb8;
	[tilespmem:$0x1E300] =	vst v63  }
0xed: {  	_ =	swait.ge [sflag:s16], $0x2800  }
0xee: {  	[sflag:s16] =	ssyncset.done $0x0  }
0xef: {  	[sflag:s16] =	ssyncadd.s32 $0xFFFFD800  }
0xf0: {  	_ =	swait.ge [sflag:s16], $0x2800  }
0xf1: {  	[sflag:s16] =	ssyncset.done $0x0  }
0xf2: {  	[sflag:s16] =	ssyncadd.s32 $0xFFFFD800  }
0xf3: {  	[spmem:s5] =	stream.indirect.scatter.add.f32 [tilespmem:s12], [sflag:$0x6], $0x80, s29, s0, $0xb8;
	[tilespmem:$0x1E300] =	vst v63  }
0xf4: {  	_ = 	snop  }
0xf5: {  	[spmem:s5] =	stream.indirect.scatter.add.f32 [tilespmem:s13], [sflag:$0x6], $0x80, s29, s0, $0xb8;
	[tilespmem:$0x1E300] =	vst v63  }
0xf6: {  	_ =	swait.ge [sflag:s17], $0x2800  }
0xf7: {  	[sflag:s17] =	ssyncset.done $0x0  }
0xf8: {  	[sflag:s17] =	ssyncadd.s32 $0xFFFFD800  }
0xf9: {  	_ =	swait.ge [sflag:s17], $0x2800  }
0xfa: {  	[sflag:s17] =	ssyncset.done $0x0  }
0xfb: {  	[sflag:s17] =	ssyncadd.s32 $0xFFFFD800  }
0xfc: {  	_ =	swait.ge [sflag:s14], $0x2800  }
0xfd: {  	[sflag:s14] =	ssyncset.done $0x0  }
0xfe: {  	[sflag:s14] =	ssyncadd.s32 $0xFFFFD800  }
0xff: {  	_ =	swait.ge [sflag:s14], $0x2800  }
0x100: {  	[sflag:s14] =	ssyncset.done $0x0  }
0x101: {  	[sflag:s14] =	ssyncadd.s32 $0xFFFFD800  }
0x102: {  	[spmem:s5] =	stream.indirect.scatter.add.f32 [tilespmem:s3], [sflag:$0x5], $0x80, s25, s0, $0xb8;
	[tilespmem:$0x1E300] =	vst v63  }
0x103: {  	_ = 	snop  }
0x104: {  	[spmem:s5] =	stream.indirect.scatter.add.f32 [tilespmem:s9], [sflag:$0x5], $0x80, s25, s0, $0xb8;
	[tilespmem:$0x1E300] =	vst v63  }
0x105: {  	_ =	swait.ge [sflag:s15], $0x2800  }
0x106: {  	[sflag:s15] =	ssyncset.done $0x0  }
0x107: {  	[sflag:s15] =	ssyncadd.s32 $0xFFFFD800  }
0x108: {  	_ =	swait.ge [sflag:s15], $0x2800  }
0x109: {  	[sflag:s15] =	ssyncset.done $0x0  }
0x10a: {  	[sflag:s15] =	ssyncadd.s32 $0xFFFFD800  }
0x10b: {  	[bflag:$0x0] =	sbarrier.arrive $0xFFFF  }
0x10c: {  	s20 =	rddreg [dreg:$0xb]  }
0x10d: {  	s21 =	simm.s32 $0x7;
	s23 =	rddreg [dreg:$0x15]  }
0x10e: {  	[hbm:s23], [sflag:s20] =	dma.local [spmem:s19], $0x2800  }
0x10f: {  	_ =	swait.ge [sflag:s21], $0x2800  }
0x110: {  	s18 =	sadd.s32 $0x1, s18;
	s24 =	rddreg [dreg:$0x16]  }
0x111: {  	p0 =	sne.s32 s18, s24  }
.Ltmp1:
0x112: {  	_ = 	snop;
	(pc) =	sbr.rel @p0 .LBB2_1-.Ltmp1, $3  }
0x113: {  	_ =	sdelay $0x1  }
0x114: {  	[sflag:s21] =	ssyncset.done $0x0  }
0x115: {  	[sflag:s21] =	ssyncadd.s32 $0xFFFFD800  }
0x116: {  	_ =	sfence.sel $0x180000  }
0x117: {  	[bflag:$0x0] =	sbarrier.arrive $0xFFFF  }
0x118: {  	_ =	strace $0x90000047  }
0x119: {  	s0 =	stileid.u32;
	[bflag:$0x2] =	sbarrier.arrive $0xFFFF  }
0x11a: {  	p0 =	sne.s32 s0, $0x0;
	s0 =	rddreg [dreg:$0x5]  }
0x11b: {  	s0 =	sadd.s32 @!p0 $0x100000, s0  }
0x11c: {  	[sflag:s0] =	ssyncadd.tile.s32 @!p0 $0x1;
	_ =	shalt  }
.Lfunc_end2:
_tile_overlayer_lowered:
.L_overlay_start_2:
0x11d: {  	(tag) =	ssettag $0x2  }
0x11e: {  	s0 =	rddreg [dreg:$0x0];
	s2 =	stileid.u32  }
0x11f: {  	s1 =	rddreg [dreg:$0x1];
	p0 =	sne.s32 s2, $0x0  }
0x120: {  	s3 =	rddreg [dreg:$0x2];
	[bflag:$0x3] =	sbarrier.arrive $0xFFFF;
	s2 =	simm.s32 @!p0 $0x1C07  }
0x121: {  	[timem:s3], [sflag:s2] =	dma.local @!p0 [hbm:s0], s1  }
0x122: {  	s0 =	simm.s32 @!p0 $0x7  }
0x123: {  	_ =	swait.ge @!p0 [sflag:s0], s1  }
0x124: {  	s1 =	ssub.s32 @!p0 $0x0, s1;
	[sflag:s0] =	ssyncset.done @!p0 $0x0  }
0x125: {  	[sflag:s0] =	ssyncadd.s32 @!p0 s1  }
0x126: {  	[bflag:$0x3] =	sbarrier.arrive $0xFFFF  }
0x127: {  	_ =	shalt  }

</sc_bundles>
